<compile_context>
chip_gen: v7x
topology: tpu7x:2x2x1
jax: 0.10.2.dev20260603
libtpu: 0.0.44.dev20260713+nightly
codegen_flags: <defaults>
</compile_context>

<pallas_src>
import functools

import jax
import jax.numpy as jnp
from jax import lax
from jax.experimental import pallas as pl
from jax.experimental.pallas import tpu as pltpu
from jax.experimental.pallas import tpu_sc as plsc

N = 10000
E = 160000
D = 256
H = 128
C = 64

NC = 2
NS = 16
NW = NC * NS
CH = 128
E_PAD = 163840
NCHUNK_TOTAL = E_PAD // CH
CPW = NCHUNK_TOTAL // NW
N_PAD = 10240
RPS = N_PAD // NS


def _sc_mesh():
    return plsc.VectorSubcoreMesh(
        core_axis_name="c", subcore_axis_name="s", num_cores=NC, num_subcores=NS
    )


def _hist_body(dst_i, ones_hbm, zeros_hbm, out, idx_d, ones_v, acc, sem):
    c = lax.axis_index("c")
    s = lax.axis_index("s")
    wid = c * NS + s
    pltpu.sync_copy(
        zeros_hbm.at[pl.ds(s * RPS, RPS)], acc.at[pl.ds(s * RPS, RPS)]
    )
    pltpu.sync_copy(dst_i.at[pl.ds(wid * CPW, CPW)], idx_d)
    pltpu.sync_copy(ones_hbm, ones_v)
    plsc.subcore_barrier()

    def chunk(j, carry):
        pltpu.async_copy(ones_v, acc.at[idx_d.at[j]], sem, add=True)
        return carry

    lax.fori_loop(0, CPW, chunk, 0)

    def drain(j, carry):
        pltpu.make_async_copy(ones_v, acc.at[idx_d.at[j]], sem).wait()
        return carry

    lax.fori_loop(0, CPW, drain, 0)
    plsc.subcore_barrier()
    pltpu.sync_copy(
        acc.at[pl.ds(s * RPS, RPS)], out.at[c, pl.ds(s * RPS, RPS)]
    )


def _make_hist():
    return pl.kernel(
        _hist_body,
        out_type=jax.ShapeDtypeStruct((NC, N_PAD, H), jnp.float32),
        mesh=_sc_mesh(),
        scratch_types=[
            pltpu.VMEM((CPW, CH), jnp.int32),
            pltpu.VMEM((CH, H), jnp.float32),
            pltpu.VMEM_SHARED((N_PAD, H), jnp.float32),
            pltpu.SemaphoreType.DMA,
        ],
    )


NBUF = 2


def _prop_body(F, g_hbm, src_i, dst_i, zeros_hbm, out, idx_s, idx_d, rows, acc, *sems):
    gsems = sems[:NBUF]
    ssems = sems[NBUF:]
    c = lax.axis_index("c")
    s = lax.axis_index("s")
    wid = c * NS + s
    pltpu.sync_copy(
        zeros_hbm.at[pl.ds(s * RPS, RPS)], acc.at[pl.ds(s * RPS, RPS)]
    )
    pltpu.sync_copy(src_i.at[pl.ds(wid * CPW, CPW)], idx_s)
    pltpu.sync_copy(dst_i.at[pl.ds(wid * CPW, CPW)], idx_d)
    plsc.subcore_barrier()

    HC = CH // 2

    def fire_gather(j, b):
        pltpu.async_copy(
            g_hbm.at[idx_s.at[j, pl.ds(0, HC)]], rows.at[b, pl.ds(0, HC)], gsems[b]
        )
        pltpu.async_copy(
            g_hbm.at[idx_s.at[j, pl.ds(HC, HC)]], rows.at[b, pl.ds(HC, HC)], gsems[b]
        )

    fire_gather(0, 0)

    def pair(j2, carry):
        j0 = NBUF * j2
        for b in range(NBUF):
            j = j0 + b
            nb = 1 - b
            pltpu.make_async_copy(g_hbm.at[idx_s.at[j]], rows.at[b], gsems[b]).wait()

            @pl.when(j >= 1)
            def _():
                pltpu.make_async_copy(
                    rows.at[nb], acc.at[idx_d.at[j - 1]], ssems[nb]
                ).wait()

            pltpu.async_copy(rows.at[b], acc.at[idx_d.at[j]], ssems[b], add=True)

            @pl.when(j + 1 < CPW)
            def _():
                fire_gather(j + 1, nb)
        return carry

    lax.fori_loop(0, CPW // NBUF, pair, 0)
    b = (CPW - 1) % NBUF
    pltpu.make_async_copy(rows.at[b], acc.at[idx_d.at[CPW - 1]], ssems[b]).wait()
    plsc.subcore_barrier()
    pltpu.sync_copy(
        acc.at[pl.ds(s * RPS, RPS)], out.at[c, pl.ds(s * RPS, RPS)]
    )


def _make_prop(F):
    return pl.kernel(
        functools.partial(_prop_body, F),
        out_type=jax.ShapeDtypeStruct((NC, N_PAD, F), jnp.float32),
        mesh=_sc_mesh(),
        scratch_types=[
            pltpu.VMEM((CPW, CH), jnp.int32),
            pltpu.VMEM((CPW, CH), jnp.int32),
            pltpu.VMEM((NBUF, CH, F), jnp.float32),
            pltpu.VMEM_SHARED((N_PAD, F), jnp.float32),
        ]
        + [pltpu.SemaphoreType.DMA] * (2 * NBUF),
    )


BR = 400


def _mm1s_body(x_ref, w1_ref, degp_ref, p_ref, dinv_ref):
    deg = degp_ref[0, :, 0] + degp_ref[1, :, 0] + 1.0
    dinv = lax.rsqrt(deg)
    xw = jnp.dot(x_ref[...], w1_ref[...], preferred_element_type=jnp.float32)
    p_ref[...] = xw * dinv[:, None]
    dinv_ref[...] = dinv[:, None]


def _mm1s(x, W1, degp):
    return pl.pallas_call(
        _mm1s_body,
        grid=(N // BR,),
        in_specs=[
            pl.BlockSpec((BR, D), lambda i: (i, 0)),
            pl.BlockSpec((D, H), lambda i: (0, 0)),
            pl.BlockSpec((NC, BR, H), lambda i: (0, i, 0)),
        ],
        out_specs=[
            pl.BlockSpec((BR, H), lambda i: (i, 0)),
            pl.BlockSpec((BR, 1), lambda i: (i, 0)),
        ],
        out_shape=[
            jax.ShapeDtypeStruct((N, H), jnp.float32),
            jax.ShapeDtypeStruct((N, 1), jnp.float32),
        ],
    )(x, W1, degp)


def _mm2_body(s1_ref, p_ref, dinv_ref, b1_ref, w2_ref, o_ref):
    dinv = dinv_ref[...]
    h1 = (s1_ref[0] + s1_ref[1] + p_ref[...]) * dinv + b1_ref[...]
    h1 = jnp.maximum(h1, 0.0)
    q = jnp.dot(h1, w2_ref[...], preferred_element_type=jnp.float32)
    o_ref[...] = q * dinv


def _mm2(s1, p, dinv, b1, W2p):
    return pl.pallas_call(
        _mm2_body,
        grid=(N // BR,),
        in_specs=[
            pl.BlockSpec((NC, BR, H), lambda i: (0, i, 0)),
            pl.BlockSpec((BR, H), lambda i: (i, 0)),
            pl.BlockSpec((BR, 1), lambda i: (i, 0)),
            pl.BlockSpec((1, H), lambda i: (0, 0)),
            pl.BlockSpec((H, H), lambda i: (0, 0)),
        ],
        out_specs=pl.BlockSpec((BR, H), lambda i: (i, 0)),
        out_shape=jax.ShapeDtypeStruct((N, H), jnp.float32),
    )(s1, p, dinv, b1, W2p)


def _final_body(s2_ref, q_ref, dinv_ref, b2_ref, o_ref):
    full = (s2_ref[0] + s2_ref[1] + q_ref[...]) * dinv_ref[...]
    o_ref[...] = full[:, :C] + b2_ref[...]


def _final(s2, q, dinv, b2):
    return pl.pallas_call(
        _final_body,
        grid=(N // BR,),
        in_specs=[
            pl.BlockSpec((NC, BR, H), lambda i: (0, i, 0)),
            pl.BlockSpec((BR, H), lambda i: (i, 0)),
            pl.BlockSpec((BR, 1), lambda i: (i, 0)),
            pl.BlockSpec((1, C), lambda i: (0, 0)),
        ],
        out_specs=pl.BlockSpec((BR, C), lambda i: (i, 0)),
        out_shape=jax.ShapeDtypeStruct((N, C), jnp.float32),
    )(s2, q, dinv, b2)


@jax.jit
def kernel(x, edge_index, W1, b1, W2, b2):
    src = edge_index[0]
    dst = edge_index[1]
    pad = E_PAD - E
    pad_dst = N + (jnp.arange(pad, dtype=jnp.int32) % (N_PAD - N))

    def chunked(idx):
        return idx.reshape(CPW, NW, CH).transpose(1, 0, 2).reshape(NCHUNK_TOTAL, CH)

    src_p = chunked(jnp.concatenate([src, jnp.zeros((pad,), jnp.int32)]))
    dst_p = chunked(jnp.concatenate([dst, pad_dst]))

    onesH = jnp.ones((CH, H), jnp.float32)
    zerosH = jnp.zeros((N_PAD, H), jnp.float32)
    W2p = jnp.pad(W2, ((0, 0), (0, H - C)))

    degp = _make_hist()(dst_p, onesH, zerosH)
    p, dinv = _mm1s(x, W1, degp)
    s1 = _make_prop(H)(p, src_p, dst_p, zerosH)
    q = _mm2(s1, p, dinv, b1.reshape(1, H), W2p)
    s2 = _make_prop(H)(q, src_p, dst_p, zerosH)
    return _final(s2, q, dinv, b2.reshape(1, C))

# --- scband reference (transcript-rebuilt; emitter-appended) ---
"""Pipeline reference for scband-robust-gcnmodel-74354473828387 (READ-ONLY COPY).

The authoritative reference and input builder live on the scoring server;
editing this copy changes nothing except your own understanding.
"""

import jax, jax.numpy as jnp
import numpy as np

N = 10000
E = 160000
D = 256
H = 128
C = 64


def setup_inputs(seed: int = 0) -> dict:
    key = jax.random.key(seed)
    ks = jax.random.split(key, 6)
    x = jax.random.normal(ks[0], (N, D), dtype=jnp.float32)
    edge_index = jax.random.randint(ks[1], (2, E), 0, N, dtype=jnp.int32)
    # Xavier-normal weights as in nn.init.xavier_normal_
    W1 = jax.random.normal(ks[2], (D, H), dtype=jnp.float32) * float(np.sqrt(2.0 / (D + H)))
    b1 = jax.random.normal(ks[3], (H,), dtype=jnp.float32)
    W2 = jax.random.normal(ks[4], (H, C), dtype=jnp.float32) * float(np.sqrt(2.0 / (H + C)))
    b2 = jax.random.normal(ks[5], (C,), dtype=jnp.float32)
    return {"x": x, "edge_index": edge_index, "W1": W1, "b1": b1, "W2": W2, "b2": b2}


def reference(x, edge_index, W1, b1, W2, b2):
    # GCN forward (RobustGCNModel standard pass, nodes=None):
    #   A_hat = D^{-1/2} (A + I) D^{-1/2}
    #   H1 = relu(A_hat @ (X @ W1) + b1)
    #   out = A_hat @ (H1 @ W2) + b2
    src = edge_index[0]
    dst = edge_index[1]
    loop = jnp.arange(N, dtype=src.dtype)
    src = jnp.concatenate([src, loop])
    dst = jnp.concatenate([dst, loop])
    ones = jnp.ones_like(src, dtype=jnp.float32)
    deg = jax.ops.segment_sum(ones, dst, num_segments=N)
    dinv = jnp.where(deg > 0, deg ** -0.5, 0.0)
    w = dinv[src] * dinv[dst]

    def prop(h):
        # sparse A_hat @ h via gather + scatter-add
        return jax.ops.segment_sum(h[src] * w[:, None], dst, num_segments=N)

    h1 = jax.nn.relu(prop(x @ W1) + b1)
    out = prop(h1 @ W2) + b2
    return out

if __name__ == "__main__":
    import jax
    _d = setup_inputs()
    print(jax.jit(kernel)(*tuple(_d.values())))

</pallas_src>

<mosaic_0001>
#map = affine_map<(d0, d1) -> (0, 0)>
#map1 = affine_map<(d0, d1) -> (0, 0, 0)>
module attributes {stable_mosaic.version = 14 : i64} {
  func.func @_hist_body(%arg0: i32, %arg1: i32, %arg2: memref<1280x128xi32, #tpu.memory_space<hbm>>, %arg3: memref<128x128xf32, #tpu.memory_space<hbm>>, %arg4: memref<10240x128xf32, #tpu.memory_space<hbm>>, %arg5: memref<2x10240x128xf32, #tpu.memory_space<hbm>>, %arg6: memref<40x128xi32, #tpu.memory_space<vmem>>, %arg7: memref<128x128xf32, #tpu.memory_space<vmem>>, %arg8: memref<10240x128xf32, #tpu.memory_space<vmem_shared>>, %arg9: memref<!tpu.dma_semaphore, #tpu.memory_space<semaphore_mem>>) attributes {dimension_semantics = [#tpu.dimension_semantics<core_parallel>, #tpu.dimension_semantics<subcore_parallel>], iteration_bounds = array<i64: 2, 16>, scalar_prefetch = 0 : i64, scratch_operands = 4 : i64, tpu.core_type = #tpu.core_type<sc_vector_subcore>, window_params = [{transform_indices = #map}, {transform_indices = #map}, {transform_indices = #map}, {transform_indices = #map1}]} {
    %mul3A = arith.constant 16 : i32
    %mul3A_0 = arith.muli %arg0, %mul3A : i32
    %add3A = arith.addi %mul3A_0, %arg1 : i32
    %mul3A_1 = arith.constant 640 : i32
    %mul3A_2 = arith.muli %arg1, %mul3A_1 : i32
    %mul3A_3 = arith.constant 640 : i32
    %mul3A_4 = arith.muli %arg1, %mul3A_3 : i32
    "tpu.region"() ({
      %run_scoped3A = tpu.sem_alloc : memref<!tpu.dma_semaphore, #tpu.memory_space<semaphore_mem>>
      %dma_start3A = arith.constant 0 : i32
      %dma_start3A_23 = tpu.memref_slice %arg8[%mul3A_4, %dma_start3A] : memref<10240x128xf32, #tpu.memory_space<vmem_shared>> -> memref<640x128xf32, #tpu.memory_space<vmem_shared>>
      %dma_start3A_24 = arith.constant 0 : i32
      %dma_start3A_25 = tpu.memref_slice %arg4[%mul3A_2, %dma_start3A_24] : memref<10240x128xf32, #tpu.memory_space<hbm>> -> memref<640x128xf32, #tpu.memory_space<hbm>>
      tpu.enqueue_dma source(%dma_start3A_25 : memref<640x128xf32, #tpu.memory_space<hbm>>) target(%dma_start3A_23 : memref<640x128xf32, #tpu.memory_space<vmem_shared>>) target_semaphore(%run_scoped3A : memref<!tpu.dma_semaphore, #tpu.memory_space<semaphore_mem>>)
      %dma_wait3A = arith.constant 0 : i32
      %dma_wait3A_26 = tpu.memref_slice %arg8[%mul3A_4, %dma_wait3A] : memref<10240x128xf32, #tpu.memory_space<vmem_shared>> -> memref<640x128xf32, #tpu.memory_space<vmem_shared>>
      %dma_wait3A_27 = arith.constant 0 : i32
      %dma_wait3A_28 = tpu.memref_slice %arg4[%mul3A_2, %dma_wait3A_27] : memref<10240x128xf32, #tpu.memory_space<hbm>> -> memref<640x128xf32, #tpu.memory_space<hbm>>
      tpu.wait_dma2 semaphore(%run_scoped3A : memref<!tpu.dma_semaphore, #tpu.memory_space<semaphore_mem>>) src(%dma_wait3A_28 : memref<640x128xf32, #tpu.memory_space<hbm>>) dst(%dma_wait3A_26 : memref<640x128xf32, #tpu.memory_space<vmem_shared>>)
      tpu.yield
    }) : () -> ()
    %mul3A_5 = arith.constant 40 : i32
    %mul3A_6 = arith.muli %add3A, %mul3A_5 : i32
    "tpu.region"() ({
      %run_scoped3A = tpu.sem_alloc : memref<!tpu.dma_semaphore, #tpu.memory_space<semaphore_mem>>
      %dma_start3A = arith.constant 0 : i32
      %dma_start3A_23 = tpu.memref_slice %arg2[%mul3A_6, %dma_start3A] : memref<1280x128xi32, #tpu.memory_space<hbm>> -> memref<40x128xi32, #tpu.memory_space<hbm>>
      %dma_start3A_24 = arith.constant 0 : i32
      %dma_start3A_25 = tpu.memref_slice %arg2[%mul3A_6, %dma_start3A_24] : memref<1280x128xi32, #tpu.memory_space<hbm>> -> memref<40x128xi32, #tpu.memory_space<hbm>>
      tpu.enqueue_dma source(%dma_start3A_25 : memref<40x128xi32, #tpu.memory_space<hbm>>) target(%arg6 : memref<40x128xi32, #tpu.memory_space<vmem>>) target_semaphore(%run_scoped3A : memref<!tpu.dma_semaphore, #tpu.memory_space<semaphore_mem>>)
      %dma_wait3A = arith.constant 0 : i32
      %dma_wait3A_26 = tpu.memref_slice %arg2[%mul3A_6, %dma_wait3A] : memref<1280x128xi32, #tpu.memory_space<hbm>> -> memref<40x128xi32, #tpu.memory_space<hbm>>
      %dma_wait3A_27 = arith.constant 0 : i32
      %dma_wait3A_28 = tpu.memref_slice %arg2[%mul3A_6, %dma_wait3A_27] : memref<1280x128xi32, #tpu.memory_space<hbm>> -> memref<40x128xi32, #tpu.memory_space<hbm>>
      tpu.wait_dma2 semaphore(%run_scoped3A : memref<!tpu.dma_semaphore, #tpu.memory_space<semaphore_mem>>) src(%dma_wait3A_28 : memref<40x128xi32, #tpu.memory_space<hbm>>) dst(%arg6 : memref<40x128xi32, #tpu.memory_space<vmem>>)
      tpu.yield
    }) : () -> ()
    "tpu.region"() ({
      %run_scoped3A = tpu.sem_alloc : memref<!tpu.dma_semaphore, #tpu.memory_space<semaphore_mem>>
      tpu.enqueue_dma source(%arg3 : memref<128x128xf32, #tpu.memory_space<hbm>>) target(%arg7 : memref<128x128xf32, #tpu.memory_space<vmem>>) target_semaphore(%run_scoped3A : memref<!tpu.dma_semaphore, #tpu.memory_space<semaphore_mem>>)
      tpu.wait_dma2 semaphore(%run_scoped3A : memref<!tpu.dma_semaphore, #tpu.memory_space<semaphore_mem>>) src(%arg3 : memref<128x128xf32, #tpu.memory_space<hbm>>) dst(%arg7 : memref<128x128xf32, #tpu.memory_space<vmem>>)
      tpu.yield
    }) : () -> ()
    %barrier3A = arith.constant 0 : index
    tpu.barrier barrier_id(%barrier3A)
    %scan3A = arith.constant 0 : i32
    %scan3A_7 = arith.constant 0 : i32
    %scan3A_8 = arith.constant 40 : i32
    %scan3A_9 = arith.addi %scan3A_7, %scan3A_8 : i32
    %scan3A_10 = arith.constant 1 : i32
    scf.for %scan3A_23 = %scan3A_7 to %scan3A_9 step %scan3A_10  : i32 {
      %dma_start3A = arith.constant 0 : i32
      %dma_start3A_24 = tpu.memref_slice %arg6[%scan3A_23, %dma_start3A] : memref<40x128xi32, #tpu.memory_space<vmem>> -> memref<1x128xi32, #tpu.memory_space<vmem>>
      %dma_start3A_25 = tpu.memref_squeeze %dma_start3A_24 : memref<1x128xi32, #tpu.memory_space<vmem>> -> memref<128xi32, #tpu.memory_space<vmem>>
      %dma_start3A_26 = arith.constant 0 : i32
      %dma_start3A_27 = arith.constant 0 : i32
      %dma_start3A_28 = tpu.memref_slice %arg8[%dma_start3A_26, %dma_start3A_27] : memref<10240x128xf32, #tpu.memory_space<vmem_shared>> -> memref<10240x128xf32, #tpu.memory_space<vmem_shared>>
      tpu.enqueue_indirect_dma source(%arg7 : memref<128x128xf32, #tpu.memory_space<vmem>>) target(%dma_start3A_28 : memref<10240x128xf32, #tpu.memory_space<vmem_shared>>) offsets(%dma_start3A_25 : memref<128xi32, #tpu.memory_space<vmem>>) semaphore(%arg9 : memref<!tpu.dma_semaphore, #tpu.memory_space<semaphore_mem>>) {add = true}
    }
    %scan3A_11 = arith.constant 40 : i32
    %scan3A_12 = arith.constant 0 : i32
    %scan3A_13 = arith.constant 0 : i32
    %scan3A_14 = arith.constant 40 : i32
    %scan3A_15 = arith.addi %scan3A_13, %scan3A_14 : i32
    %scan3A_16 = arith.constant 1 : i32
    scf.for %scan3A_23 = %scan3A_13 to %scan3A_15 step %scan3A_16  : i32 {
      %dma_wait3A = arith.constant 0 : i32
      %dma_wait3A_24 = tpu.memref_slice %arg6[%scan3A_23, %dma_wait3A] : memref<40x128xi32, #tpu.memory_space<vmem>> -> memref<1x128xi32, #tpu.memory_space<vmem>>
      %dma_wait3A_25 = tpu.memref_squeeze %dma_wait3A_24 : memref<1x128xi32, #tpu.memory_space<vmem>> -> memref<128xi32, #tpu.memory_space<vmem>>
      %dma_wait3A_26 = arith.constant 0 : i32
      %dma_wait3A_27 = arith.constant 0 : i32
      %dma_wait3A_28 = tpu.memref_slice %arg8[%dma_wait3A_26, %dma_wait3A_27] : memref<10240x128xf32, #tpu.memory_space<vmem_shared>> -> memref<10240x128xf32, #tpu.memory_space<vmem_shared>>
      tpu.wait_indirect_dma semaphore(%arg9 : memref<!tpu.dma_semaphore, #tpu.memory_space<semaphore_mem>>) src(%arg7 : memref<128x128xf32, #tpu.memory_space<vmem>>) dst(%dma_wait3A_28 : memref<10240x128xf32, #tpu.memory_space<vmem_shared>>)
    }
    %scan3A_17 = arith.constant 40 : i32
    %barrier3A_18 = arith.constant 0 : index
    tpu.barrier barrier_id(%barrier3A_18)
    %mul3A_19 = arith.constant 640 : i32
    %mul3A_20 = arith.muli %arg1, %mul3A_19 : i32
    %mul3A_21 = arith.constant 640 : i32
    %mul3A_22 = arith.muli %arg1, %mul3A_21 : i32
    "tpu.region"() ({
      %run_scoped3A = tpu.sem_alloc : memref<!tpu.dma_semaphore, #tpu.memory_space<semaphore_mem>>
      %dma_start3A = arith.constant 0 : i32
      %dma_start3A_23 = tpu.memref_slice %arg5[%arg0, %mul3A_22, %dma_start3A] : memref<2x10240x128xf32, #tpu.memory_space<hbm>> -> memref<1x640x128xf32, #tpu.memory_space<hbm>>
      %dma_start3A_24 = tpu.memref_squeeze %dma_start3A_23 : memref<1x640x128xf32, #tpu.memory_space<hbm>> -> memref<640x128xf32, #tpu.memory_space<hbm>>
      %dma_start3A_25 = arith.constant 0 : i32
      %dma_start3A_26 = tpu.memref_slice %arg8[%mul3A_20, %dma_start3A_25] : memref<10240x128xf32, #tpu.memory_space<vmem_shared>> -> memref<640x128xf32, #tpu.memory_space<vmem_shared>>
      tpu.enqueue_dma source(%dma_start3A_26 : memref<640x128xf32, #tpu.memory_space<vmem_shared>>) target(%dma_start3A_24 : memref<640x128xf32, #tpu.memory_space<hbm>>) target_semaphore(%run_scoped3A : memref<!tpu.dma_semaphore, #tpu.memory_space<semaphore_mem>>)
      %dma_wait3A = arith.constant 0 : i32
      %dma_wait3A_27 = tpu.memref_slice %arg5[%arg0, %mul3A_22, %dma_wait3A] : memref<2x10240x128xf32, #tpu.memory_space<hbm>> -> memref<1x640x128xf32, #tpu.memory_space<hbm>>
      %dma_wait3A_28 = tpu.memref_squeeze %dma_wait3A_27 : memref<1x640x128xf32, #tpu.memory_space<hbm>> -> memref<640x128xf32, #tpu.memory_space<hbm>>
      %dma_wait3A_29 = arith.constant 0 : i32
      %dma_wait3A_30 = tpu.memref_slice %arg8[%mul3A_20, %dma_wait3A_29] : memref<10240x128xf32, #tpu.memory_space<vmem_shared>> -> memref<640x128xf32, #tpu.memory_space<vmem_shared>>
      tpu.wait_dma2 semaphore(%run_scoped3A : memref<!tpu.dma_semaphore, #tpu.memory_space<semaphore_mem>>) src(%dma_wait3A_30 : memref<640x128xf32, #tpu.memory_space<vmem_shared>>) dst(%dma_wait3A_28 : memref<640x128xf32, #tpu.memory_space<hbm>>)
      tpu.yield
    }) : () -> ()
    return
  }
}

#map = affine_map<(d0, d1) -> (0, 0)>
#map1 = affine_map<(d0, d1) -> (0, 0, 0)>
module attributes {stable_mosaic.version = 14 : i64} {
  func.func @_prop_body(%arg0: i32, %arg1: i32, %arg2: memref<10000x128xf32, #tpu.memory_space<hbm>>, %arg3: memref<1280x128xi32, #tpu.memory_space<hbm>>, %arg4: memref<1280x128xi32, #tpu.memory_space<hbm>>, %arg5: memref<10240x128xf32, #tpu.memory_space<hbm>>, %arg6: memref<2x10240x128xf32, #tpu.memory_space<hbm>>, %arg7: memref<40x128xi32, #tpu.memory_space<vmem>>, %arg8: memref<40x128xi32, #tpu.memory_space<vmem>>, %arg9: memref<2x128x128xf32, #tpu.memory_space<vmem>>, %arg10: memref<10240x128xf32, #tpu.memory_space<vmem_shared>>, %arg11: memref<!tpu.dma_semaphore, #tpu.memory_space<semaphore_mem>>, %arg12: memref<!tpu.dma_semaphore, #tpu.memory_space<semaphore_mem>>, %arg13: memref<!tpu.dma_semaphore, #tpu.memory_space<semaphore_mem>>, %arg14: memref<!tpu.dma_semaphore, #tpu.memory_space<semaphore_mem>>) attributes {dimension_semantics = [#tpu.dimension_semantics<core_parallel>, #tpu.dimension_semantics<subcore_parallel>], iteration_bounds = array<i64: 2, 16>, scalar_prefetch = 0 : i64, scratch_operands = 8 : i64, tpu.core_type = #tpu.core_type<sc_vector_subcore>, window_params = [{transform_indices = #map}, {transform_indices = #map}, {transform_indices = #map}, {transform_indices = #map}, {transform_indices = #map1}]} {
    %mul3A = arith.constant 16 : i32
    %mul3A_0 = arith.muli %arg0, %mul3A : i32
    %add3A = arith.addi %mul3A_0, %arg1 : i32
    %mul3A_1 = arith.constant 640 : i32
    %mul3A_2 = arith.muli %arg1, %mul3A_1 : i32
    %mul3A_3 = arith.constant 640 : i32
    %mul3A_4 = arith.muli %arg1, %mul3A_3 : i32
    "tpu.region"() ({
      %run_scoped3A = tpu.sem_alloc : memref<!tpu.dma_semaphore, #tpu.memory_space<semaphore_mem>>
      %dma_start3A_53 = arith.constant 0 : i32
      %dma_start3A_54 = tpu.memref_slice %arg10[%mul3A_4, %dma_start3A_53] : memref<10240x128xf32, #tpu.memory_space<vmem_shared>> -> memref<640x128xf32, #tpu.memory_space<vmem_shared>>
      %dma_start3A_55 = arith.constant 0 : i32
      %dma_start3A_56 = tpu.memref_slice %arg5[%mul3A_2, %dma_start3A_55] : memref<10240x128xf32, #tpu.memory_space<hbm>> -> memref<640x128xf32, #tpu.memory_space<hbm>>
      tpu.enqueue_dma source(%dma_start3A_56 : memref<640x128xf32, #tpu.memory_space<hbm>>) target(%dma_start3A_54 : memref<640x128xf32, #tpu.memory_space<vmem_shared>>) target_semaphore(%run_scoped3A : memref<!tpu.dma_semaphore, #tpu.memory_space<semaphore_mem>>)
      %dma_wait3A_57 = arith.constant 0 : i32
      %dma_wait3A_58 = tpu.memref_slice %arg10[%mul3A_4, %dma_wait3A_57] : memref<10240x128xf32, #tpu.memory_space<vmem_shared>> -> memref<640x128xf32, #tpu.memory_space<vmem_shared>>
      %dma_wait3A_59 = arith.constant 0 : i32
      %dma_wait3A_60 = tpu.memref_slice %arg5[%mul3A_2, %dma_wait3A_59] : memref<10240x128xf32, #tpu.memory_space<hbm>> -> memref<640x128xf32, #tpu.memory_space<hbm>>
      tpu.wait_dma2 semaphore(%run_scoped3A : memref<!tpu.dma_semaphore, #tpu.memory_space<semaphore_mem>>) src(%dma_wait3A_60 : memref<640x128xf32, #tpu.memory_space<hbm>>) dst(%dma_wait3A_58 : memref<640x128xf32, #tpu.memory_space<vmem_shared>>)
      tpu.yield
    }) : () -> ()
    %mul3A_5 = arith.constant 40 : i32
    %mul3A_6 = arith.muli %add3A, %mul3A_5 : i32
    "tpu.region"() ({
      %run_scoped3A = tpu.sem_alloc : memref<!tpu.dma_semaphore, #tpu.memory_space<semaphore_mem>>
      %dma_start3A_53 = arith.constant 0 : i32
      %dma_start3A_54 = tpu.memref_slice %arg3[%mul3A_6, %dma_start3A_53] : memref<1280x128xi32, #tpu.memory_space<hbm>> -> memref<40x128xi32, #tpu.memory_space<hbm>>
      %dma_start3A_55 = arith.constant 0 : i32
      %dma_start3A_56 = tpu.memref_slice %arg3[%mul3A_6, %dma_start3A_55] : memref<1280x128xi32, #tpu.memory_space<hbm>> -> memref<40x128xi32, #tpu.memory_space<hbm>>
      tpu.enqueue_dma source(%dma_start3A_56 : memref<40x128xi32, #tpu.memory_space<hbm>>) target(%arg7 : memref<40x128xi32, #tpu.memory_space<vmem>>) target_semaphore(%run_scoped3A : memref<!tpu.dma_semaphore, #tpu.memory_space<semaphore_mem>>)
      %dma_wait3A_57 = arith.constant 0 : i32
      %dma_wait3A_58 = tpu.memref_slice %arg3[%mul3A_6, %dma_wait3A_57] : memref<1280x128xi32, #tpu.memory_space<hbm>> -> memref<40x128xi32, #tpu.memory_space<hbm>>
      %dma_wait3A_59 = arith.constant 0 : i32
      %dma_wait3A_60 = tpu.memref_slice %arg3[%mul3A_6, %dma_wait3A_59] : memref<1280x128xi32, #tpu.memory_space<hbm>> -> memref<40x128xi32, #tpu.memory_space<hbm>>
      tpu.wait_dma2 semaphore(%run_scoped3A : memref<!tpu.dma_semaphore, #tpu.memory_space<semaphore_mem>>) src(%dma_wait3A_60 : memref<40x128xi32, #tpu.memory_space<hbm>>) dst(%arg7 : memref<40x128xi32, #tpu.memory_space<vmem>>)
      tpu.yield
    }) : () -> ()
    %mul3A_7 = arith.constant 40 : i32
    %mul3A_8 = arith.muli %add3A, %mul3A_7 : i32
    "tpu.region"() ({
      %run_scoped3A = tpu.sem_alloc : memref<!tpu.dma_semaphore, #tpu.memory_space<semaphore_mem>>
      %dma_start3A_53 = arith.constant 0 : i32
      %dma_start3A_54 = tpu.memref_slice %arg4[%mul3A_8, %dma_start3A_53] : memref<1280x128xi32, #tpu.memory_space<hbm>> -> memref<40x128xi32, #tpu.memory_space<hbm>>
      %dma_start3A_55 = arith.constant 0 : i32
      %dma_start3A_56 = tpu.memref_slice %arg4[%mul3A_8, %dma_start3A_55] : memref<1280x128xi32, #tpu.memory_space<hbm>> -> memref<40x128xi32, #tpu.memory_space<hbm>>
      tpu.enqueue_dma source(%dma_start3A_56 : memref<40x128xi32, #tpu.memory_space<hbm>>) target(%arg8 : memref<40x128xi32, #tpu.memory_space<vmem>>) target_semaphore(%run_scoped3A : memref<!tpu.dma_semaphore, #tpu.memory_space<semaphore_mem>>)
      %dma_wait3A_57 = arith.constant 0 : i32
      %dma_wait3A_58 = tpu.memref_slice %arg4[%mul3A_8, %dma_wait3A_57] : memref<1280x128xi32, #tpu.memory_space<hbm>> -> memref<40x128xi32, #tpu.memory_space<hbm>>
      %dma_wait3A_59 = arith.constant 0 : i32
      %dma_wait3A_60 = tpu.memref_slice %arg4[%mul3A_8, %dma_wait3A_59] : memref<1280x128xi32, #tpu.memory_space<hbm>> -> memref<40x128xi32, #tpu.memory_space<hbm>>
      tpu.wait_dma2 semaphore(%run_scoped3A : memref<!tpu.dma_semaphore, #tpu.memory_space<semaphore_mem>>) src(%dma_wait3A_60 : memref<40x128xi32, #tpu.memory_space<hbm>>) dst(%arg8 : memref<40x128xi32, #tpu.memory_space<vmem>>)
      tpu.yield
    }) : () -> ()
    %barrier3A = arith.constant 0 : index
    tpu.barrier barrier_id(%barrier3A)
    %dma_start3A = arith.constant 0 : i32
    %dma_start3A_9 = arith.constant 0 : i32
    %dma_start3A_10 = arith.constant 0 : i32
    %dma_start3A_11 = arith.constant 0 : i32
    %dma_start3A_12 = tpu.memref_slice %arg9[%dma_start3A_9, %dma_start3A_10, %dma_start3A_11] : memref<2x128x128xf32, #tpu.memory_space<vmem>> -> memref<1x64x128xf32, #tpu.memory_space<vmem>>
    %dma_start3A_13 = tpu.memref_squeeze %dma_start3A_12 : memref<1x64x128xf32, #tpu.memory_space<vmem>> -> memref<64x128xf32, #tpu.memory_space<vmem>>
    %dma_start3A_14 = arith.constant 0 : i32
    %dma_start3A_15 = tpu.memref_slice %arg7[%dma_start3A, %dma_start3A_14] : memref<40x128xi32, #tpu.memory_space<vmem>> -> memref<1x64xi32, #tpu.memory_space<vmem>>
    %dma_start3A_16 = tpu.memref_squeeze %dma_start3A_15 : memref<1x64xi32, #tpu.memory_space<vmem>> -> memref<64xi32, #tpu.memory_space<vmem>>
    %dma_start3A_17 = arith.constant 0 : i32
    %dma_start3A_18 = arith.constant 0 : i32
    %dma_start3A_19 = tpu.memref_slice %arg2[%dma_start3A_17, %dma_start3A_18] : memref<10000x128xf32, #tpu.memory_space<hbm>> -> memref<10000x128xf32, #tpu.memory_space<hbm>>
    tpu.enqueue_indirect_dma source(%dma_start3A_19 : memref<10000x128xf32, #tpu.memory_space<hbm>>) target(%dma_start3A_13 : memref<64x128xf32, #tpu.memory_space<vmem>>) offsets(%dma_start3A_16 : memref<64xi32, #tpu.memory_space<vmem>>) semaphore(%arg11 : memref<!tpu.dma_semaphore, #tpu.memory_space<semaphore_mem>>)
    %dma_start3A_20 = arith.constant 0 : i32
    %dma_start3A_21 = arith.constant 0 : i32
    %dma_start3A_22 = arith.constant 64 : i32
    %dma_start3A_23 = arith.constant 0 : i32
    %dma_start3A_24 = tpu.memref_slice %arg9[%dma_start3A_21, %dma_start3A_22, %dma_start3A_23] : memref<2x128x128xf32, #tpu.memory_space<vmem>> -> memref<1x64x128xf32, #tpu.memory_space<vmem>>
    %dma_start3A_25 = tpu.memref_squeeze %dma_start3A_24 : memref<1x64x128xf32, #tpu.memory_space<vmem>> -> memref<64x128xf32, #tpu.memory_space<vmem>>
    %dma_start3A_26 = arith.constant 64 : i32
    %dma_start3A_27 = tpu.memref_slice %arg7[%dma_start3A_20, %dma_start3A_26] : memref<40x128xi32, #tpu.memory_space<vmem>> -> memref<1x64xi32, #tpu.memory_space<vmem>>
    %dma_start3A_28 = tpu.memref_squeeze %dma_start3A_27 : memref<1x64xi32, #tpu.memory_space<vmem>> -> memref<64xi32, #tpu.memory_space<vmem>>
    %dma_start3A_29 = arith.constant 0 : i32
    %dma_start3A_30 = arith.constant 0 : i32
    %dma_start3A_31 = tpu.memref_slice %arg2[%dma_start3A_29, %dma_start3A_30] : memref<10000x128xf32, #tpu.memory_space<hbm>> -> memref<10000x128xf32, #tpu.memory_space<hbm>>
    tpu.enqueue_indirect_dma source(%dma_start3A_31 : memref<10000x128xf32, #tpu.memory_space<hbm>>) target(%dma_start3A_25 : memref<64x128xf32, #tpu.memory_space<vmem>>) offsets(%dma_start3A_28 : memref<64xi32, #tpu.memory_space<vmem>>) semaphore(%arg11 : memref<!tpu.dma_semaphore, #tpu.memory_space<semaphore_mem>>)
    %scan3A = arith.constant 0 : i32
    %scan3A_32 = arith.constant 0 : i32
    %scan3A_33 = arith.constant 20 : i32
    %scan3A_34 = arith.addi %scan3A_32, %scan3A_33 : i32
    %scan3A_35 = arith.constant 1 : i32
    scf.for %scan3A_53 = %scan3A_32 to %scan3A_34 step %scan3A_35  : i32 {
      %mul3A_54 = arith.constant 2 : i32
      %mul3A_55 = arith.muli %mul3A_54, %scan3A_53 : i32
      %add3A_56 = arith.constant 0 : i32
      %add3A_57 = arith.addi %mul3A_55, %add3A_56 : i32
      %dma_wait3A_58 = arith.constant 0 : i32
      %dma_wait3A_59 = arith.constant 0 : i32
      %dma_wait3A_60 = arith.constant 0 : i32
      %dma_wait3A_61 = tpu.memref_slice %arg9[%dma_wait3A_58, %dma_wait3A_59, %dma_wait3A_60] : memref<2x128x128xf32, #tpu.memory_space<vmem>> -> memref<1x128x128xf32, #tpu.memory_space<vmem>>
      %dma_wait3A_62 = tpu.memref_squeeze %dma_wait3A_61 : memref<1x128x128xf32, #tpu.memory_space<vmem>> -> memref<128x128xf32, #tpu.memory_space<vmem>>
      %dma_wait3A_63 = arith.constant 0 : i32
      %dma_wait3A_64 = tpu.memref_slice %arg7[%add3A_57, %dma_wait3A_63] : memref<40x128xi32, #tpu.memory_space<vmem>> -> memref<1x128xi32, #tpu.memory_space<vmem>>
      %dma_wait3A_65 = tpu.memref_squeeze %dma_wait3A_64 : memref<1x128xi32, #tpu.memory_space<vmem>> -> memref<128xi32, #tpu.memory_space<vmem>>
      %dma_wait3A_66 = arith.constant 0 : i32
      %dma_wait3A_67 = arith.constant 0 : i32
      %dma_wait3A_68 = tpu.memref_slice %arg2[%dma_wait3A_66, %dma_wait3A_67] : memref<10000x128xf32, #tpu.memory_space<hbm>> -> memref<10000x128xf32, #tpu.memory_space<hbm>>
      tpu.wait_indirect_dma semaphore(%arg11 : memref<!tpu.dma_semaphore, #tpu.memory_space<semaphore_mem>>) src(%dma_wait3A_68 : memref<10000x128xf32, #tpu.memory_space<hbm>>) dst(%dma_wait3A_62 : memref<128x128xf32, #tpu.memory_space<vmem>>)
      %ge3A = arith.constant 1 : i32
      %ge3A_69 = arith.cmpi sge, %add3A_57, %ge3A : i32
      %convert_element_type3A = arith.extui %ge3A_69 : i1 to i32
      %cond3A = arith.constant 0 : i32
      %cond3A_70 = arith.cmpi ne, %convert_element_type3A, %cond3A : i32
      scf.if %cond3A_70 {
        %sub3A = arith.constant 1 : i32
        %sub3A_124 = arith.subi %add3A_57, %sub3A : i32
        %dma_wait3A_125 = arith.constant 1 : i32
        %dma_wait3A_126 = arith.constant 0 : i32
        %dma_wait3A_127 = arith.constant 0 : i32
        %dma_wait3A_128 = tpu.memref_slice %arg9[%dma_wait3A_125, %dma_wait3A_126, %dma_wait3A_127] : memref<2x128x128xf32, #tpu.memory_space<vmem>> -> memref<1x128x128xf32, #tpu.memory_space<vmem>>
        %dma_wait3A_129 = tpu.memref_squeeze %dma_wait3A_128 : memref<1x128x128xf32, #tpu.memory_space<vmem>> -> memref<128x128xf32, #tpu.memory_space<vmem>>
        %dma_wait3A_130 = arith.constant 0 : i32
        %dma_wait3A_131 = tpu.memref_slice %arg8[%sub3A_124, %dma_wait3A_130] : memref<40x128xi32, #tpu.memory_space<vmem>> -> memref<1x128xi32, #tpu.memory_space<vmem>>
        %dma_wait3A_132 = tpu.memref_squeeze %dma_wait3A_131 : memref<1x128xi32, #tpu.memory_space<vmem>> -> memref<128xi32, #tpu.memory_space<vmem>>
        %dma_wait3A_133 = arith.constant 0 : i32
        %dma_wait3A_134 = arith.constant 0 : i32
        %dma_wait3A_135 = tpu.memref_slice %arg10[%dma_wait3A_133, %dma_wait3A_134] : memref<10240x128xf32, #tpu.memory_space<vmem_shared>> -> memref<10240x128xf32, #tpu.memory_space<vmem_shared>>
        tpu.wait_indirect_dma semaphore(%arg14 : memref<!tpu.dma_semaphore, #tpu.memory_space<semaphore_mem>>) src(%dma_wait3A_129 : memref<128x128xf32, #tpu.memory_space<vmem>>) dst(%dma_wait3A_135 : memref<10240x128xf32, #tpu.memory_space<vmem_shared>>)
      } else {
      }
      %dma_start3A_71 = arith.constant 0 : i32
      %dma_start3A_72 = arith.constant 0 : i32
      %dma_start3A_73 = arith.constant 0 : i32
      %dma_start3A_74 = tpu.memref_slice %arg9[%dma_start3A_71, %dma_start3A_72, %dma_start3A_73] : memref<2x128x128xf32, #tpu.memory_space<vmem>> -> memref<1x128x128xf32, #tpu.memory_space<vmem>>
      %dma_start3A_75 = tpu.memref_squeeze %dma_start3A_74 : memref<1x128x128xf32, #tpu.memory_space<vmem>> -> memref<128x128xf32, #tpu.memory_space<vmem>>
      %dma_start3A_76 = arith.constant 0 : i32
      %dma_start3A_77 = tpu.memref_slice %arg8[%add3A_57, %dma_start3A_76] : memref<40x128xi32, #tpu.memory_space<vmem>> -> memref<1x128xi32, #tpu.memory_space<vmem>>
      %dma_start3A_78 = tpu.memref_squeeze %dma_start3A_77 : memref<1x128xi32, #tpu.memory_space<vmem>> -> memref<128xi32, #tpu.memory_space<vmem>>
      %dma_start3A_79 = arith.constant 0 : i32
      %dma_start3A_80 = arith.constant 0 : i32
      %dma_start3A_81 = tpu.memref_slice %arg10[%dma_start3A_79, %dma_start3A_80] : memref<10240x128xf32, #tpu.memory_space<vmem_shared>> -> memref<10240x128xf32, #tpu.memory_space<vmem_shared>>
      tpu.enqueue_indirect_dma source(%dma_start3A_75 : memref<128x128xf32, #tpu.memory_space<vmem>>) target(%dma_start3A_81 : memref<10240x128xf32, #tpu.memory_space<vmem_shared>>) offsets(%dma_start3A_78 : memref<128xi32, #tpu.memory_space<vmem>>) semaphore(%arg13 : memref<!tpu.dma_semaphore, #tpu.memory_space<semaphore_mem>>) {add = true}
      %add3A_82 = arith.constant 1 : i32
      %add3A_83 = arith.addi %add3A_57, %add3A_82 : i32
      %lt3A = arith.constant 40 : i32
      %lt3A_84 = arith.cmpi slt, %add3A_83, %lt3A : i32
      %convert_element_type3A_85 = arith.extui %lt3A_84 : i1 to i32
      %cond3A_86 = arith.constant 0 : i32
      %cond3A_87 = arith.cmpi ne, %convert_element_type3A_85, %cond3A_86 : i32
      scf.if %cond3A_87 {
        %add3A_124 = arith.constant 1 : i32
        %add3A_125 = arith.addi %add3A_57, %add3A_124 : i32
        %dma_start3A_126 = arith.constant 1 : i32
        %dma_start3A_127 = arith.constant 0 : i32
        %dma_start3A_128 = arith.constant 0 : i32
        %dma_start3A_129 = tpu.memref_slice %arg9[%dma_start3A_126, %dma_start3A_127, %dma_start3A_128] : memref<2x128x128xf32, #tpu.memory_space<vmem>> -> memref<1x64x128xf32, #tpu.memory_space<vmem>>
        %dma_start3A_130 = tpu.memref_squeeze %dma_start3A_129 : memref<1x64x128xf32, #tpu.memory_space<vmem>> -> memref<64x128xf32, #tpu.memory_space<vmem>>
        %dma_start3A_131 = arith.constant 0 : i32
        %dma_start3A_132 = tpu.memref_slice %arg7[%add3A_125, %dma_start3A_131] : memref<40x128xi32, #tpu.memory_space<vmem>> -> memref<1x64xi32, #tpu.memory_space<vmem>>
        %dma_start3A_133 = tpu.memref_squeeze %dma_start3A_132 : memref<1x64xi32, #tpu.memory_space<vmem>> -> memref<64xi32, #tpu.memory_space<vmem>>
        %dma_start3A_134 = arith.constant 0 : i32
        %dma_start3A_135 = arith.constant 0 : i32
        %dma_start3A_136 = tpu.memref_slice %arg2[%dma_start3A_134, %dma_start3A_135] : memref<10000x128xf32, #tpu.memory_space<hbm>> -> memref<10000x128xf32, #tpu.memory_space<hbm>>
        tpu.enqueue_indirect_dma source(%dma_start3A_136 : memref<10000x128xf32, #tpu.memory_space<hbm>>) target(%dma_start3A_130 : memref<64x128xf32, #tpu.memory_space<vmem>>) offsets(%dma_start3A_133 : memref<64xi32, #tpu.memory_space<vmem>>) semaphore(%arg12 : memref<!tpu.dma_semaphore, #tpu.memory_space<semaphore_mem>>)
        %dma_start3A_137 = arith.constant 1 : i32
        %dma_start3A_138 = arith.constant 64 : i32
        %dma_start3A_139 = arith.constant 0 : i32
        %dma_start3A_140 = tpu.memref_slice %arg9[%dma_start3A_137, %dma_start3A_138, %dma_start3A_139] : memref<2x128x128xf32, #tpu.memory_space<vmem>> -> memref<1x64x128xf32, #tpu.memory_space<vmem>>
        %dma_start3A_141 = tpu.memref_squeeze %dma_start3A_140 : memref<1x64x128xf32, #tpu.memory_space<vmem>> -> memref<64x128xf32, #tpu.memory_space<vmem>>
        %dma_start3A_142 = arith.constant 64 : i32
        %dma_start3A_143 = tpu.memref_slice %arg7[%add3A_125, %dma_start3A_142] : memref<40x128xi32, #tpu.memory_space<vmem>> -> memref<1x64xi32, #tpu.memory_space<vmem>>
        %dma_start3A_144 = tpu.memref_squeeze %dma_start3A_143 : memref<1x64xi32, #tpu.memory_space<vmem>> -> memref<64xi32, #tpu.memory_space<vmem>>
        %dma_start3A_145 = arith.constant 0 : i32
        %dma_start3A_146 = arith.constant 0 : i32
        %dma_start3A_147 = tpu.memref_slice %arg2[%dma_start3A_145, %dma_start3A_146] : memref<10000x128xf32, #tpu.memory_space<hbm>> -> memref<10000x128xf32, #tpu.memory_space<hbm>>
        tpu.enqueue_indirect_dma source(%dma_start3A_147 : memref<10000x128xf32, #tpu.memory_space<hbm>>) target(%dma_start3A_141 : memref<64x128xf32, #tpu.memory_space<vmem>>) offsets(%dma_start3A_144 : memref<64xi32, #tpu.memory_space<vmem>>) semaphore(%arg12 : memref<!tpu.dma_semaphore, #tpu.memory_space<semaphore_mem>>)
      } else {
      }
      %add3A_88 = arith.constant 1 : i32
      %add3A_89 = arith.addi %mul3A_55, %add3A_88 : i32
      %dma_wait3A_90 = arith.constant 1 : i32
      %dma_wait3A_91 = arith.constant 0 : i32
      %dma_wait3A_92 = arith.constant 0 : i32
      %dma_wait3A_93 = tpu.memref_slice %arg9[%dma_wait3A_90, %dma_wait3A_91, %dma_wait3A_92] : memref<2x128x128xf32, #tpu.memory_space<vmem>> -> memref<1x128x128xf32, #tpu.memory_space<vmem>>
      %dma_wait3A_94 = tpu.memref_squeeze %dma_wait3A_93 : memref<1x128x128xf32, #tpu.memory_space<vmem>> -> memref<128x128xf32, #tpu.memory_space<vmem>>
      %dma_wait3A_95 = arith.constant 0 : i32
      %dma_wait3A_96 = tpu.memref_slice %arg7[%add3A_89, %dma_wait3A_95] : memref<40x128xi32, #tpu.memory_space<vmem>> -> memref<1x128xi32, #tpu.memory_space<vmem>>
      %dma_wait3A_97 = tpu.memref_squeeze %dma_wait3A_96 : memref<1x128xi32, #tpu.memory_space<vmem>> -> memref<128xi32, #tpu.memory_space<vmem>>
      %dma_wait3A_98 = arith.constant 0 : i32
      %dma_wait3A_99 = arith.constant 0 : i32
      %dma_wait3A_100 = tpu.memref_slice %arg2[%dma_wait3A_98, %dma_wait3A_99] : memref<10000x128xf32, #tpu.memory_space<hbm>> -> memref<10000x128xf32, #tpu.memory_space<hbm>>
      tpu.wait_indirect_dma semaphore(%arg12 : memref<!tpu.dma_semaphore, #tpu.memory_space<semaphore_mem>>) src(%dma_wait3A_100 : memref<10000x128xf32, #tpu.memory_space<hbm>>) dst(%dma_wait3A_94 : memref<128x128xf32, #tpu.memory_space<vmem>>)
      %ge3A_101 = arith.constant 1 : i32
      %ge3A_102 = arith.cmpi sge, %add3A_89, %ge3A_101 : i32
      %convert_element_type3A_103 = arith.extui %ge3A_102 : i1 to i32
      %cond3A_104 = arith.constant 0 : i32
      %cond3A_105 = arith.cmpi ne, %convert_element_type3A_103, %cond3A_104 : i32
      scf.if %cond3A_105 {
        %sub3A = arith.constant 1 : i32
        %sub3A_124 = arith.subi %add3A_89, %sub3A : i32
        %dma_wait3A_125 = arith.constant 0 : i32
        %dma_wait3A_126 = arith.constant 0 : i32
        %dma_wait3A_127 = arith.constant 0 : i32
        %dma_wait3A_128 = tpu.memref_slice %arg9[%dma_wait3A_125, %dma_wait3A_126, %dma_wait3A_127] : memref<2x128x128xf32, #tpu.memory_space<vmem>> -> memref<1x128x128xf32, #tpu.memory_space<vmem>>
        %dma_wait3A_129 = tpu.memref_squeeze %dma_wait3A_128 : memref<1x128x128xf32, #tpu.memory_space<vmem>> -> memref<128x128xf32, #tpu.memory_space<vmem>>
        %dma_wait3A_130 = arith.constant 0 : i32
        %dma_wait3A_131 = tpu.memref_slice %arg8[%sub3A_124, %dma_wait3A_130] : memref<40x128xi32, #tpu.memory_space<vmem>> -> memref<1x128xi32, #tpu.memory_space<vmem>>
        %dma_wait3A_132 = tpu.memref_squeeze %dma_wait3A_131 : memref<1x128xi32, #tpu.memory_space<vmem>> -> memref<128xi32, #tpu.memory_space<vmem>>
        %dma_wait3A_133 = arith.constant 0 : i32
        %dma_wait3A_134 = arith.constant 0 : i32
        %dma_wait3A_135 = tpu.memref_slice %arg10[%dma_wait3A_133, %dma_wait3A_134] : memref<10240x128xf32, #tpu.memory_space<vmem_shared>> -> memref<10240x128xf32, #tpu.memory_space<vmem_shared>>
        tpu.wait_indirect_dma semaphore(%arg13 : memref<!tpu.dma_semaphore, #tpu.memory_space<semaphore_mem>>) src(%dma_wait3A_129 : memref<128x128xf32, #tpu.memory_space<vmem>>) dst(%dma_wait3A_135 : memref<10240x128xf32, #tpu.memory_space<vmem_shared>>)
      } else {
      }
      %dma_start3A_106 = arith.constant 1 : i32
      %dma_start3A_107 = arith.constant 0 : i32
      %dma_start3A_108 = arith.constant 0 : i32
      %dma_start3A_109 = tpu.memref_slice %arg9[%dma_start3A_106, %dma_start3A_107, %dma_start3A_108] : memref<2x128x128xf32, #tpu.memory_space<vmem>> -> memref<1x128x128xf32, #tpu.memory_space<vmem>>
      %dma_start3A_110 = tpu.memref_squeeze %dma_start3A_109 : memref<1x128x128xf32, #tpu.memory_space<vmem>> -> memref<128x128xf32, #tpu.memory_space<vmem>>
      %dma_start3A_111 = arith.constant 0 : i32
      %dma_start3A_112 = tpu.memref_slice %arg8[%add3A_89, %dma_start3A_111] : memref<40x128xi32, #tpu.memory_space<vmem>> -> memref<1x128xi32, #tpu.memory_space<vmem>>
      %dma_start3A_113 = tpu.memref_squeeze %dma_start3A_112 : memref<1x128xi32, #tpu.memory_space<vmem>> -> memref<128xi32, #tpu.memory_space<vmem>>
      %dma_start3A_114 = arith.constant 0 : i32
      %dma_start3A_115 = arith.constant 0 : i32
      %dma_start3A_116 = tpu.memref_slice %arg10[%dma_start3A_114, %dma_start3A_115] : memref<10240x128xf32, #tpu.memory_space<vmem_shared>> -> memref<10240x128xf32, #tpu.memory_space<vmem_shared>>
      tpu.enqueue_indirect_dma source(%dma_start3A_110 : memref<128x128xf32, #tpu.memory_space<vmem>>) target(%dma_start3A_116 : memref<10240x128xf32, #tpu.memory_space<vmem_shared>>) offsets(%dma_start3A_113 : memref<128xi32, #tpu.memory_space<vmem>>) semaphore(%arg14 : memref<!tpu.dma_semaphore, #tpu.memory_space<semaphore_mem>>) {add = true}
      %add3A_117 = arith.constant 1 : i32
      %add3A_118 = arith.addi %add3A_89, %add3A_117 : i32
      %lt3A_119 = arith.constant 40 : i32
      %lt3A_120 = arith.cmpi slt, %add3A_118, %lt3A_119 : i32
      %convert_element_type3A_121 = arith.extui %lt3A_120 : i1 to i32
      %cond3A_122 = arith.constant 0 : i32
      %cond3A_123 = arith.cmpi ne, %convert_element_type3A_121, %cond3A_122 : i32
      scf.if %cond3A_123 {
        %add3A_124 = arith.constant 1 : i32
        %add3A_125 = arith.addi %add3A_89, %add3A_124 : i32
        %dma_start3A_126 = arith.constant 0 : i32
        %dma_start3A_127 = arith.constant 0 : i32
        %dma_start3A_128 = arith.constant 0 : i32
        %dma_start3A_129 = tpu.memref_slice %arg9[%dma_start3A_126, %dma_start3A_127, %dma_start3A_128] : memref<2x128x128xf32, #tpu.memory_space<vmem>> -> memref<1x64x128xf32, #tpu.memory_space<vmem>>
        %dma_start3A_130 = tpu.memref_squeeze %dma_start3A_129 : memref<1x64x128xf32, #tpu.memory_space<vmem>> -> memref<64x128xf32, #tpu.memory_space<vmem>>
        %dma_start3A_131 = arith.constant 0 : i32
        %dma_start3A_132 = tpu.memref_slice %arg7[%add3A_125, %dma_start3A_131] : memref<40x128xi32, #tpu.memory_space<vmem>> -> memref<1x64xi32, #tpu.memory_space<vmem>>
        %dma_start3A_133 = tpu.memref_squeeze %dma_start3A_132 : memref<1x64xi32, #tpu.memory_space<vmem>> -> memref<64xi32, #tpu.memory_space<vmem>>
        %dma_start3A_134 = arith.constant 0 : i32
        %dma_start3A_135 = arith.constant 0 : i32
        %dma_start3A_136 = tpu.memref_slice %arg2[%dma_start3A_134, %dma_start3A_135] : memref<10000x128xf32, #tpu.memory_space<hbm>> -> memref<10000x128xf32, #tpu.memory_space<hbm>>
        tpu.enqueue_indirect_dma source(%dma_start3A_136 : memref<10000x128xf32, #tpu.memory_space<hbm>>) target(%dma_start3A_130 : memref<64x128xf32, #tpu.memory_space<vmem>>) offsets(%dma_start3A_133 : memref<64xi32, #tpu.memory_space<vmem>>) semaphore(%arg11 : memref<!tpu.dma_semaphore, #tpu.memory_space<semaphore_mem>>)
        %dma_start3A_137 = arith.constant 0 : i32
        %dma_start3A_138 = arith.constant 64 : i32
        %dma_start3A_139 = arith.constant 0 : i32
        %dma_start3A_140 = tpu.memref_slice %arg9[%dma_start3A_137, %dma_start3A_138, %dma_start3A_139] : memref<2x128x128xf32, #tpu.memory_space<vmem>> -> memref<1x64x128xf32, #tpu.memory_space<vmem>>
        %dma_start3A_141 = tpu.memref_squeeze %dma_start3A_140 : memref<1x64x128xf32, #tpu.memory_space<vmem>> -> memref<64x128xf32, #tpu.memory_space<vmem>>
        %dma_start3A_142 = arith.constant 64 : i32
        %dma_start3A_143 = tpu.memref_slice %arg7[%add3A_125, %dma_start3A_142] : memref<40x128xi32, #tpu.memory_space<vmem>> -> memref<1x64xi32, #tpu.memory_space<vmem>>
        %dma_start3A_144 = tpu.memref_squeeze %dma_start3A_143 : memref<1x64xi32, #tpu.memory_space<vmem>> -> memref<64xi32, #tpu.memory_space<vmem>>
        %dma_start3A_145 = arith.constant 0 : i32
        %dma_start3A_146 = arith.constant 0 : i32
        %dma_start3A_147 = tpu.memref_slice %arg2[%dma_start3A_145, %dma_start3A_146] : memref<10000x128xf32, #tpu.memory_space<hbm>> -> memref<10000x128xf32, #tpu.memory_space<hbm>>
        tpu.enqueue_indirect_dma source(%dma_start3A_147 : memref<10000x128xf32, #tpu.memory_space<hbm>>) target(%dma_start3A_141 : memref<64x128xf32, #tpu.memory_space<vmem>>) offsets(%dma_start3A_144 : memref<64xi32, #tpu.memory_space<vmem>>) semaphore(%arg11 : memref<!tpu.dma_semaphore, #tpu.memory_space<semaphore_mem>>)
      } else {
      }
    }
    %scan3A_36 = arith.constant 20 : i32
    %dma_wait3A = arith.constant 1 : i32
    %dma_wait3A_37 = arith.constant 39 : i32
    %dma_wait3A_38 = arith.constant 0 : i32
    %dma_wait3A_39 = arith.constant 0 : i32
    %dma_wait3A_40 = tpu.memref_slice %arg9[%dma_wait3A, %dma_wait3A_38, %dma_wait3A_39] : memref<2x128x128xf32, #tpu.memory_space<vmem>> -> memref<1x128x128xf32, #tpu.memory_space<vmem>>
    %dma_wait3A_41 = tpu.memref_squeeze %dma_wait3A_40 : memref<1x128x128xf32, #tpu.memory_space<vmem>> -> memref<128x128xf32, #tpu.memory_space<vmem>>
    %dma_wait3A_42 = arith.constant 0 : i32
    %dma_wait3A_43 = tpu.memref_slice %arg8[%dma_wait3A_37, %dma_wait3A_42] : memref<40x128xi32, #tpu.memory_space<vmem>> -> memref<1x128xi32, #tpu.memory_space<vmem>>
    %dma_wait3A_44 = tpu.memref_squeeze %dma_wait3A_43 : memref<1x128xi32, #tpu.memory_space<vmem>> -> memref<128xi32, #tpu.memory_space<vmem>>
    %dma_wait3A_45 = arith.constant 0 : i32
    %dma_wait3A_46 = arith.constant 0 : i32
    %dma_wait3A_47 = tpu.memref_slice %arg10[%dma_wait3A_45, %dma_wait3A_46] : memref<10240x128xf32, #tpu.memory_space<vmem_shared>> -> memref<10240x128xf32, #tpu.memory_space<vmem_shared>>
    tpu.wait_indirect_dma semaphore(%arg14 : memref<!tpu.dma_semaphore, #tpu.memory_space<semaphore_mem>>) src(%dma_wait3A_41 : memref<128x128xf32, #tpu.memory_space<vmem>>) dst(%dma_wait3A_47 : memref<10240x128xf32, #tpu.memory_space<vmem_shared>>)
    %barrier3A_48 = arith.constant 0 : index
    tpu.barrier barrier_id(%barrier3A_48)
    %mul3A_49 = arith.constant 640 : i32
    %mul3A_50 = arith.muli %arg1, %mul3A_49 : i32
    %mul3A_51 = arith.constant 640 : i32
    %mul3A_52 = arith.muli %arg1, %mul3A_51 : i32
    "tpu.region"() ({
      %run_scoped3A = tpu.sem_alloc : memref<!tpu.dma_semaphore, #tpu.memory_space<semaphore_mem>>
      %dma_start3A_53 = arith.constant 0 : i32
      %dma_start3A_54 = tpu.memref_slice %arg6[%arg0, %mul3A_52, %dma_start3A_53] : memref<2x10240x128xf32, #tpu.memory_space<hbm>> -> memref<1x640x128xf32, #tpu.memory_space<hbm>>
      %dma_start3A_55 = tpu.memref_squeeze %dma_start3A_54 : memref<1x640x128xf32, #tpu.memory_space<hbm>> -> memref<640x128xf32, #tpu.memory_space<hbm>>
      %dma_start3A_56 = arith.constant 0 : i32
      %dma_start3A_57 = tpu.memref_slice %arg10[%mul3A_50, %dma_start3A_56] : memref<10240x128xf32, #tpu.memory_space<vmem_shared>> -> memref<640x128xf32, #tpu.memory_space<vmem_shared>>
      tpu.enqueue_dma source(%dma_start3A_57 : memref<640x128xf32, #tpu.memory_space<vmem_shared>>) target(%dma_start3A_55 : memref<640x128xf32, #tpu.memory_space<hbm>>) target_semaphore(%run_scoped3A : memref<!tpu.dma_semaphore, #tpu.memory_space<semaphore_mem>>)
      %dma_wait3A_58 = arith.constant 0 : i32
      %dma_wait3A_59 = tpu.memref_slice %arg6[%arg0, %mul3A_52, %dma_wait3A_58] : memref<2x10240x128xf32, #tpu.memory_space<hbm>> -> memref<1x640x128xf32, #tpu.memory_space<hbm>>
      %dma_wait3A_60 = tpu.memref_squeeze %dma_wait3A_59 : memref<1x640x128xf32, #tpu.memory_space<hbm>> -> memref<640x128xf32, #tpu.memory_space<hbm>>
      %dma_wait3A_61 = arith.constant 0 : i32
      %dma_wait3A_62 = tpu.memref_slice %arg10[%mul3A_50, %dma_wait3A_61] : memref<10240x128xf32, #tpu.memory_space<vmem_shared>> -> memref<640x128xf32, #tpu.memory_space<vmem_shared>>
      tpu.wait_dma2 semaphore(%run_scoped3A : memref<!tpu.dma_semaphore, #tpu.memory_space<semaphore_mem>>) src(%dma_wait3A_62 : memref<640x128xf32, #tpu.memory_space<vmem_shared>>) dst(%dma_wait3A_60 : memref<640x128xf32, #tpu.memory_space<hbm>>)
      tpu.yield
    }) : () -> ()
    return
  }
}

#map = affine_map<(d0, d1) -> (0, 0)>
#map1 = affine_map<(d0, d1) -> (0, 0, 0)>
module attributes {stable_mosaic.version = 14 : i64} {
  func.func @_prop_body(%arg0: i32, %arg1: i32, %arg2: memref<10000x128xf32, #tpu.memory_space<hbm>>, %arg3: memref<1280x128xi32, #tpu.memory_space<hbm>>, %arg4: memref<1280x128xi32, #tpu.memory_space<hbm>>, %arg5: memref<10240x128xf32, #tpu.memory_space<hbm>>, %arg6: memref<2x10240x128xf32, #tpu.memory_space<hbm>>, %arg7: memref<40x128xi32, #tpu.memory_space<vmem>>, %arg8: memref<40x128xi32, #tpu.memory_space<vmem>>, %arg9: memref<2x128x128xf32, #tpu.memory_space<vmem>>, %arg10: memref<10240x128xf32, #tpu.memory_space<vmem_shared>>, %arg11: memref<!tpu.dma_semaphore, #tpu.memory_space<semaphore_mem>>, %arg12: memref<!tpu.dma_semaphore, #tpu.memory_space<semaphore_mem>>, %arg13: memref<!tpu.dma_semaphore, #tpu.memory_space<semaphore_mem>>, %arg14: memref<!tpu.dma_semaphore, #tpu.memory_space<semaphore_mem>>) attributes {dimension_semantics = [#tpu.dimension_semantics<core_parallel>, #tpu.dimension_semantics<subcore_parallel>], iteration_bounds = array<i64: 2, 16>, scalar_prefetch = 0 : i64, scratch_operands = 8 : i64, tpu.core_type = #tpu.core_type<sc_vector_subcore>, window_params = [{transform_indices = #map}, {transform_indices = #map}, {transform_indices = #map}, {transform_indices = #map}, {transform_indices = #map1}]} {
    %mul3A = arith.constant 16 : i32
    %mul3A_0 = arith.muli %arg0, %mul3A : i32
    %add3A = arith.addi %mul3A_0, %arg1 : i32
    %mul3A_1 = arith.constant 640 : i32
    %mul3A_2 = arith.muli %arg1, %mul3A_1 : i32
    %mul3A_3 = arith.constant 640 : i32
    %mul3A_4 = arith.muli %arg1, %mul3A_3 : i32
    "tpu.region"() ({
      %run_scoped3A = tpu.sem_alloc : memref<!tpu.dma_semaphore, #tpu.memory_space<semaphore_mem>>
      %dma_start3A_53 = arith.constant 0 : i32
      %dma_start3A_54 = tpu.memref_slice %arg10[%mul3A_4, %dma_start3A_53] : memref<10240x128xf32, #tpu.memory_space<vmem_shared>> -> memref<640x128xf32, #tpu.memory_space<vmem_shared>>
      %dma_start3A_55 = arith.constant 0 : i32
      %dma_start3A_56 = tpu.memref_slice %arg5[%mul3A_2, %dma_start3A_55] : memref<10240x128xf32, #tpu.memory_space<hbm>> -> memref<640x128xf32, #tpu.memory_space<hbm>>
      tpu.enqueue_dma source(%dma_start3A_56 : memref<640x128xf32, #tpu.memory_space<hbm>>) target(%dma_start3A_54 : memref<640x128xf32, #tpu.memory_space<vmem_shared>>) target_semaphore(%run_scoped3A : memref<!tpu.dma_semaphore, #tpu.memory_space<semaphore_mem>>)
      %dma_wait3A_57 = arith.constant 0 : i32
      %dma_wait3A_58 = tpu.memref_slice %arg10[%mul3A_4, %dma_wait3A_57] : memref<10240x128xf32, #tpu.memory_space<vmem_shared>> -> memref<640x128xf32, #tpu.memory_space<vmem_shared>>
      %dma_wait3A_59 = arith.constant 0 : i32
      %dma_wait3A_60 = tpu.memref_slice %arg5[%mul3A_2, %dma_wait3A_59] : memref<10240x128xf32, #tpu.memory_space<hbm>> -> memref<640x128xf32, #tpu.memory_space<hbm>>
      tpu.wait_dma2 semaphore(%run_scoped3A : memref<!tpu.dma_semaphore, #tpu.memory_space<semaphore_mem>>) src(%dma_wait3A_60 : memref<640x128xf32, #tpu.memory_space<hbm>>) dst(%dma_wait3A_58 : memref<640x128xf32, #tpu.memory_space<vmem_shared>>)
      tpu.yield
    }) : () -> ()
    %mul3A_5 = arith.constant 40 : i32
    %mul3A_6 = arith.muli %add3A, %mul3A_5 : i32
    "tpu.region"() ({
      %run_scoped3A = tpu.sem_alloc : memref<!tpu.dma_semaphore, #tpu.memory_space<semaphore_mem>>
      %dma_start3A_53 = arith.constant 0 : i32
      %dma_start3A_54 = tpu.memref_slice %arg3[%mul3A_6, %dma_start3A_53] : memref<1280x128xi32, #tpu.memory_space<hbm>> -> memref<40x128xi32, #tpu.memory_space<hbm>>
      %dma_start3A_55 = arith.constant 0 : i32
      %dma_start3A_56 = tpu.memref_slice %arg3[%mul3A_6, %dma_start3A_55] : memref<1280x128xi32, #tpu.memory_space<hbm>> -> memref<40x128xi32, #tpu.memory_space<hbm>>
      tpu.enqueue_dma source(%dma_start3A_56 : memref<40x128xi32, #tpu.memory_space<hbm>>) target(%arg7 : memref<40x128xi32, #tpu.memory_space<vmem>>) target_semaphore(%run_scoped3A : memref<!tpu.dma_semaphore, #tpu.memory_space<semaphore_mem>>)
      %dma_wait3A_57 = arith.constant 0 : i32
      %dma_wait3A_58 = tpu.memref_slice %arg3[%mul3A_6, %dma_wait3A_57] : memref<1280x128xi32, #tpu.memory_space<hbm>> -> memref<40x128xi32, #tpu.memory_space<hbm>>
      %dma_wait3A_59 = arith.constant 0 : i32
      %dma_wait3A_60 = tpu.memref_slice %arg3[%mul3A_6, %dma_wait3A_59] : memref<1280x128xi32, #tpu.memory_space<hbm>> -> memref<40x128xi32, #tpu.memory_space<hbm>>
      tpu.wait_dma2 semaphore(%run_scoped3A : memref<!tpu.dma_semaphore, #tpu.memory_space<semaphore_mem>>) src(%dma_wait3A_60 : memref<40x128xi32, #tpu.memory_space<hbm>>) dst(%arg7 : memref<40x128xi32, #tpu.memory_space<vmem>>)
      tpu.yield
    }) : () -> ()
    %mul3A_7 = arith.constant 40 : i32
    %mul3A_8 = arith.muli %add3A, %mul3A_7 : i32
    "tpu.region"() ({
      %run_scoped3A = tpu.sem_alloc : memref<!tpu.dma_semaphore, #tpu.memory_space<semaphore_mem>>
      %dma_start3A_53 = arith.constant 0 : i32
      %dma_start3A_54 = tpu.memref_slice %arg4[%mul3A_8, %dma_start3A_53] : memref<1280x128xi32, #tpu.memory_space<hbm>> -> memref<40x128xi32, #tpu.memory_space<hbm>>
      %dma_start3A_55 = arith.constant 0 : i32
      %dma_start3A_56 = tpu.memref_slice %arg4[%mul3A_8, %dma_start3A_55] : memref<1280x128xi32, #tpu.memory_space<hbm>> -> memref<40x128xi32, #tpu.memory_space<hbm>>
      tpu.enqueue_dma source(%dma_start3A_56 : memref<40x128xi32, #tpu.memory_space<hbm>>) target(%arg8 : memref<40x128xi32, #tpu.memory_space<vmem>>) target_semaphore(%run_scoped3A : memref<!tpu.dma_semaphore, #tpu.memory_space<semaphore_mem>>)
      %dma_wait3A_57 = arith.constant 0 : i32
      %dma_wait3A_58 = tpu.memref_slice %arg4[%mul3A_8, %dma_wait3A_57] : memref<1280x128xi32, #tpu.memory_space<hbm>> -> memref<40x128xi32, #tpu.memory_space<hbm>>
      %dma_wait3A_59 = arith.constant 0 : i32
      %dma_wait3A_60 = tpu.memref_slice %arg4[%mul3A_8, %dma_wait3A_59] : memref<1280x128xi32, #tpu.memory_space<hbm>> -> memref<40x128xi32, #tpu.memory_space<hbm>>
      tpu.wait_dma2 semaphore(%run_scoped3A : memref<!tpu.dma_semaphore, #tpu.memory_space<semaphore_mem>>) src(%dma_wait3A_60 : memref<40x128xi32, #tpu.memory_space<hbm>>) dst(%arg8 : memref<40x128xi32, #tpu.memory_space<vmem>>)
      tpu.yield
    }) : () -> ()
    %barrier3A = arith.constant 0 : index
    tpu.barrier barrier_id(%barrier3A)
    %dma_start3A = arith.constant 0 : i32
    %dma_start3A_9 = arith.constant 0 : i32
    %dma_start3A_10 = arith.constant 0 : i32
    %dma_start3A_11 = arith.constant 0 : i32
    %dma_start3A_12 = tpu.memref_slice %arg9[%dma_start3A_9, %dma_start3A_10, %dma_start3A_11] : memref<2x128x128xf32, #tpu.memory_space<vmem>> -> memref<1x64x128xf32, #tpu.memory_space<vmem>>
    %dma_start3A_13 = tpu.memref_squeeze %dma_start3A_12 : memref<1x64x128xf32, #tpu.memory_space<vmem>> -> memref<64x128xf32, #tpu.memory_space<vmem>>
    %dma_start3A_14 = arith.constant 0 : i32
    %dma_start3A_15 = tpu.memref_slice %arg7[%dma_start3A, %dma_start3A_14] : memref<40x128xi32, #tpu.memory_space<vmem>> -> memref<1x64xi32, #tpu.memory_space<vmem>>
    %dma_start3A_16 = tpu.memref_squeeze %dma_start3A_15 : memref<1x64xi32, #tpu.memory_space<vmem>> -> memref<64xi32, #tpu.memory_space<vmem>>
    %dma_start3A_17 = arith.constant 0 : i32
    %dma_start3A_18 = arith.constant 0 : i32
    %dma_start3A_19 = tpu.memref_slice %arg2[%dma_start3A_17, %dma_start3A_18] : memref<10000x128xf32, #tpu.memory_space<hbm>> -> memref<10000x128xf32, #tpu.memory_space<hbm>>
    tpu.enqueue_indirect_dma source(%dma_start3A_19 : memref<10000x128xf32, #tpu.memory_space<hbm>>) target(%dma_start3A_13 : memref<64x128xf32, #tpu.memory_space<vmem>>) offsets(%dma_start3A_16 : memref<64xi32, #tpu.memory_space<vmem>>) semaphore(%arg11 : memref<!tpu.dma_semaphore, #tpu.memory_space<semaphore_mem>>)
    %dma_start3A_20 = arith.constant 0 : i32
    %dma_start3A_21 = arith.constant 0 : i32
    %dma_start3A_22 = arith.constant 64 : i32
    %dma_start3A_23 = arith.constant 0 : i32
    %dma_start3A_24 = tpu.memref_slice %arg9[%dma_start3A_21, %dma_start3A_22, %dma_start3A_23] : memref<2x128x128xf32, #tpu.memory_space<vmem>> -> memref<1x64x128xf32, #tpu.memory_space<vmem>>
    %dma_start3A_25 = tpu.memref_squeeze %dma_start3A_24 : memref<1x64x128xf32, #tpu.memory_space<vmem>> -> memref<64x128xf32, #tpu.memory_space<vmem>>
    %dma_start3A_26 = arith.constant 64 : i32
    %dma_start3A_27 = tpu.memref_slice %arg7[%dma_start3A_20, %dma_start3A_26] : memref<40x128xi32, #tpu.memory_space<vmem>> -> memref<1x64xi32, #tpu.memory_space<vmem>>
    %dma_start3A_28 = tpu.memref_squeeze %dma_start3A_27 : memref<1x64xi32, #tpu.memory_space<vmem>> -> memref<64xi32, #tpu.memory_space<vmem>>
    %dma_start3A_29 = arith.constant 0 : i32
    %dma_start3A_30 = arith.constant 0 : i32
    %dma_start3A_31 = tpu.memref_slice %arg2[%dma_start3A_29, %dma_start3A_30] : memref<10000x128xf32, #tpu.memory_space<hbm>> -> memref<10000x128xf32, #tpu.memory_space<hbm>>
    tpu.enqueue_indirect_dma source(%dma_start3A_31 : memref<10000x128xf32, #tpu.memory_space<hbm>>) target(%dma_start3A_25 : memref<64x128xf32, #tpu.memory_space<vmem>>) offsets(%dma_start3A_28 : memref<64xi32, #tpu.memory_space<vmem>>) semaphore(%arg11 : memref<!tpu.dma_semaphore, #tpu.memory_space<semaphore_mem>>)
    %scan3A = arith.constant 0 : i32
    %scan3A_32 = arith.constant 0 : i32
    %scan3A_33 = arith.constant 20 : i32
    %scan3A_34 = arith.addi %scan3A_32, %scan3A_33 : i32
    %scan3A_35 = arith.constant 1 : i32
    scf.for %scan3A_53 = %scan3A_32 to %scan3A_34 step %scan3A_35  : i32 {
      %mul3A_54 = arith.constant 2 : i32
      %mul3A_55 = arith.muli %mul3A_54, %scan3A_53 : i32
      %add3A_56 = arith.constant 0 : i32
      %add3A_57 = arith.addi %mul3A_55, %add3A_56 : i32
      %dma_wait3A_58 = arith.constant 0 : i32
      %dma_wait3A_59 = arith.constant 0 : i32
      %dma_wait3A_60 = arith.constant 0 : i32
      %dma_wait3A_61 = tpu.memref_slice %arg9[%dma_wait3A_58, %dma_wait3A_59, %dma_wait3A_60] : memref<2x128x128xf32, #tpu.memory_space<vmem>> -> memref<1x128x128xf32, #tpu.memory_space<vmem>>
      %dma_wait3A_62 = tpu.memref_squeeze %dma_wait3A_61 : memref<1x128x128xf32, #tpu.memory_space<vmem>> -> memref<128x128xf32, #tpu.memory_space<vmem>>
      %dma_wait3A_63 = arith.constant 0 : i32
      %dma_wait3A_64 = tpu.memref_slice %arg7[%add3A_57, %dma_wait3A_63] : memref<40x128xi32, #tpu.memory_space<vmem>> -> memref<1x128xi32, #tpu.memory_space<vmem>>
      %dma_wait3A_65 = tpu.memref_squeeze %dma_wait3A_64 : memref<1x128xi32, #tpu.memory_space<vmem>> -> memref<128xi32, #tpu.memory_space<vmem>>
      %dma_wait3A_66 = arith.constant 0 : i32
      %dma_wait3A_67 = arith.constant 0 : i32
      %dma_wait3A_68 = tpu.memref_slice %arg2[%dma_wait3A_66, %dma_wait3A_67] : memref<10000x128xf32, #tpu.memory_space<hbm>> -> memref<10000x128xf32, #tpu.memory_space<hbm>>
      tpu.wait_indirect_dma semaphore(%arg11 : memref<!tpu.dma_semaphore, #tpu.memory_space<semaphore_mem>>) src(%dma_wait3A_68 : memref<10000x128xf32, #tpu.memory_space<hbm>>) dst(%dma_wait3A_62 : memref<128x128xf32, #tpu.memory_space<vmem>>)
      %ge3A = arith.constant 1 : i32
      %ge3A_69 = arith.cmpi sge, %add3A_57, %ge3A : i32
      %convert_element_type3A = arith.extui %ge3A_69 : i1 to i32
      %cond3A = arith.constant 0 : i32
      %cond3A_70 = arith.cmpi ne, %convert_element_type3A, %cond3A : i32
      scf.if %cond3A_70 {
        %sub3A = arith.constant 1 : i32
        %sub3A_124 = arith.subi %add3A_57, %sub3A : i32
        %dma_wait3A_125 = arith.constant 1 : i32
        %dma_wait3A_126 = arith.constant 0 : i32
        %dma_wait3A_127 = arith.constant 0 : i32
        %dma_wait3A_128 = tpu.memref_slice %arg9[%dma_wait3A_125, %dma_wait3A_126, %dma_wait3A_127] : memref<2x128x128xf32, #tpu.memory_space<vmem>> -> memref<1x128x128xf32, #tpu.memory_space<vmem>>
        %dma_wait3A_129 = tpu.memref_squeeze %dma_wait3A_128 : memref<1x128x128xf32, #tpu.memory_space<vmem>> -> memref<128x128xf32, #tpu.memory_space<vmem>>
        %dma_wait3A_130 = arith.constant 0 : i32
        %dma_wait3A_131 = tpu.memref_slice %arg8[%sub3A_124, %dma_wait3A_130] : memref<40x128xi32, #tpu.memory_space<vmem>> -> memref<1x128xi32, #tpu.memory_space<vmem>>
        %dma_wait3A_132 = tpu.memref_squeeze %dma_wait3A_131 : memref<1x128xi32, #tpu.memory_space<vmem>> -> memref<128xi32, #tpu.memory_space<vmem>>
        %dma_wait3A_133 = arith.constant 0 : i32
        %dma_wait3A_134 = arith.constant 0 : i32
        %dma_wait3A_135 = tpu.memref_slice %arg10[%dma_wait3A_133, %dma_wait3A_134] : memref<10240x128xf32, #tpu.memory_space<vmem_shared>> -> memref<10240x128xf32, #tpu.memory_space<vmem_shared>>
        tpu.wait_indirect_dma semaphore(%arg14 : memref<!tpu.dma_semaphore, #tpu.memory_space<semaphore_mem>>) src(%dma_wait3A_129 : memref<128x128xf32, #tpu.memory_space<vmem>>) dst(%dma_wait3A_135 : memref<10240x128xf32, #tpu.memory_space<vmem_shared>>)
      } else {
      }
      %dma_start3A_71 = arith.constant 0 : i32
      %dma_start3A_72 = arith.constant 0 : i32
      %dma_start3A_73 = arith.constant 0 : i32
      %dma_start3A_74 = tpu.memref_slice %arg9[%dma_start3A_71, %dma_start3A_72, %dma_start3A_73] : memref<2x128x128xf32, #tpu.memory_space<vmem>> -> memref<1x128x128xf32, #tpu.memory_space<vmem>>
      %dma_start3A_75 = tpu.memref_squeeze %dma_start3A_74 : memref<1x128x128xf32, #tpu.memory_space<vmem>> -> memref<128x128xf32, #tpu.memory_space<vmem>>
      %dma_start3A_76 = arith.constant 0 : i32
      %dma_start3A_77 = tpu.memref_slice %arg8[%add3A_57, %dma_start3A_76] : memref<40x128xi32, #tpu.memory_space<vmem>> -> memref<1x128xi32, #tpu.memory_space<vmem>>
      %dma_start3A_78 = tpu.memref_squeeze %dma_start3A_77 : memref<1x128xi32, #tpu.memory_space<vmem>> -> memref<128xi32, #tpu.memory_space<vmem>>
      %dma_start3A_79 = arith.constant 0 : i32
      %dma_start3A_80 = arith.constant 0 : i32
      %dma_start3A_81 = tpu.memref_slice %arg10[%dma_start3A_79, %dma_start3A_80] : memref<10240x128xf32, #tpu.memory_space<vmem_shared>> -> memref<10240x128xf32, #tpu.memory_space<vmem_shared>>
      tpu.enqueue_indirect_dma source(%dma_start3A_75 : memref<128x128xf32, #tpu.memory_space<vmem>>) target(%dma_start3A_81 : memref<10240x128xf32, #tpu.memory_space<vmem_shared>>) offsets(%dma_start3A_78 : memref<128xi32, #tpu.memory_space<vmem>>) semaphore(%arg13 : memref<!tpu.dma_semaphore, #tpu.memory_space<semaphore_mem>>) {add = true}
      %add3A_82 = arith.constant 1 : i32
      %add3A_83 = arith.addi %add3A_57, %add3A_82 : i32
      %lt3A = arith.constant 40 : i32
      %lt3A_84 = arith.cmpi slt, %add3A_83, %lt3A : i32
      %convert_element_type3A_85 = arith.extui %lt3A_84 : i1 to i32
      %cond3A_86 = arith.constant 0 : i32
      %cond3A_87 = arith.cmpi ne, %convert_element_type3A_85, %cond3A_86 : i32
      scf.if %cond3A_87 {
        %add3A_124 = arith.constant 1 : i32
        %add3A_125 = arith.addi %add3A_57, %add3A_124 : i32
        %dma_start3A_126 = arith.constant 1 : i32
        %dma_start3A_127 = arith.constant 0 : i32
        %dma_start3A_128 = arith.constant 0 : i32
        %dma_start3A_129 = tpu.memref_slice %arg9[%dma_start3A_126, %dma_start3A_127, %dma_start3A_128] : memref<2x128x128xf32, #tpu.memory_space<vmem>> -> memref<1x64x128xf32, #tpu.memory_space<vmem>>
        %dma_start3A_130 = tpu.memref_squeeze %dma_start3A_129 : memref<1x64x128xf32, #tpu.memory_space<vmem>> -> memref<64x128xf32, #tpu.memory_space<vmem>>
        %dma_start3A_131 = arith.constant 0 : i32
        %dma_start3A_132 = tpu.memref_slice %arg7[%add3A_125, %dma_start3A_131] : memref<40x128xi32, #tpu.memory_space<vmem>> -> memref<1x64xi32, #tpu.memory_space<vmem>>
        %dma_start3A_133 = tpu.memref_squeeze %dma_start3A_132 : memref<1x64xi32, #tpu.memory_space<vmem>> -> memref<64xi32, #tpu.memory_space<vmem>>
        %dma_start3A_134 = arith.constant 0 : i32
        %dma_start3A_135 = arith.constant 0 : i32
        %dma_start3A_136 = tpu.memref_slice %arg2[%dma_start3A_134, %dma_start3A_135] : memref<10000x128xf32, #tpu.memory_space<hbm>> -> memref<10000x128xf32, #tpu.memory_space<hbm>>
        tpu.enqueue_indirect_dma source(%dma_start3A_136 : memref<10000x128xf32, #tpu.memory_space<hbm>>) target(%dma_start3A_130 : memref<64x128xf32, #tpu.memory_space<vmem>>) offsets(%dma_start3A_133 : memref<64xi32, #tpu.memory_space<vmem>>) semaphore(%arg12 : memref<!tpu.dma_semaphore, #tpu.memory_space<semaphore_mem>>)
        %dma_start3A_137 = arith.constant 1 : i32
        %dma_start3A_138 = arith.constant 64 : i32
        %dma_start3A_139 = arith.constant 0 : i32
        %dma_start3A_140 = tpu.memref_slice %arg9[%dma_start3A_137, %dma_start3A_138, %dma_start3A_139] : memref<2x128x128xf32, #tpu.memory_space<vmem>> -> memref<1x64x128xf32, #tpu.memory_space<vmem>>
        %dma_start3A_141 = tpu.memref_squeeze %dma_start3A_140 : memref<1x64x128xf32, #tpu.memory_space<vmem>> -> memref<64x128xf32, #tpu.memory_space<vmem>>
        %dma_start3A_142 = arith.constant 64 : i32
        %dma_start3A_143 = tpu.memref_slice %arg7[%add3A_125, %dma_start3A_142] : memref<40x128xi32, #tpu.memory_space<vmem>> -> memref<1x64xi32, #tpu.memory_space<vmem>>
        %dma_start3A_144 = tpu.memref_squeeze %dma_start3A_143 : memref<1x64xi32, #tpu.memory_space<vmem>> -> memref<64xi32, #tpu.memory_space<vmem>>
        %dma_start3A_145 = arith.constant 0 : i32
        %dma_start3A_146 = arith.constant 0 : i32
        %dma_start3A_147 = tpu.memref_slice %arg2[%dma_start3A_145, %dma_start3A_146] : memref<10000x128xf32, #tpu.memory_space<hbm>> -> memref<10000x128xf32, #tpu.memory_space<hbm>>
        tpu.enqueue_indirect_dma source(%dma_start3A_147 : memref<10000x128xf32, #tpu.memory_space<hbm>>) target(%dma_start3A_141 : memref<64x128xf32, #tpu.memory_space<vmem>>) offsets(%dma_start3A_144 : memref<64xi32, #tpu.memory_space<vmem>>) semaphore(%arg12 : memref<!tpu.dma_semaphore, #tpu.memory_space<semaphore_mem>>)
      } else {
      }
      %add3A_88 = arith.constant 1 : i32
      %add3A_89 = arith.addi %mul3A_55, %add3A_88 : i32
      %dma_wait3A_90 = arith.constant 1 : i32
      %dma_wait3A_91 = arith.constant 0 : i32
      %dma_wait3A_92 = arith.constant 0 : i32
      %dma_wait3A_93 = tpu.memref_slice %arg9[%dma_wait3A_90, %dma_wait3A_91, %dma_wait3A_92] : memref<2x128x128xf32, #tpu.memory_space<vmem>> -> memref<1x128x128xf32, #tpu.memory_space<vmem>>
      %dma_wait3A_94 = tpu.memref_squeeze %dma_wait3A_93 : memref<1x128x128xf32, #tpu.memory_space<vmem>> -> memref<128x128xf32, #tpu.memory_space<vmem>>
      %dma_wait3A_95 = arith.constant 0 : i32
      %dma_wait3A_96 = tpu.memref_slice %arg7[%add3A_89, %dma_wait3A_95] : memref<40x128xi32, #tpu.memory_space<vmem>> -> memref<1x128xi32, #tpu.memory_space<vmem>>
      %dma_wait3A_97 = tpu.memref_squeeze %dma_wait3A_96 : memref<1x128xi32, #tpu.memory_space<vmem>> -> memref<128xi32, #tpu.memory_space<vmem>>
      %dma_wait3A_98 = arith.constant 0 : i32
      %dma_wait3A_99 = arith.constant 0 : i32
      %dma_wait3A_100 = tpu.memref_slice %arg2[%dma_wait3A_98, %dma_wait3A_99] : memref<10000x128xf32, #tpu.memory_space<hbm>> -> memref<10000x128xf32, #tpu.memory_space<hbm>>
      tpu.wait_indirect_dma semaphore(%arg12 : memref<!tpu.dma_semaphore, #tpu.memory_space<semaphore_mem>>) src(%dma_wait3A_100 : memref<10000x128xf32, #tpu.memory_space<hbm>>) dst(%dma_wait3A_94 : memref<128x128xf32, #tpu.memory_space<vmem>>)
      %ge3A_101 = arith.constant 1 : i32
      %ge3A_102 = arith.cmpi sge, %add3A_89, %ge3A_101 : i32
      %convert_element_type3A_103 = arith.extui %ge3A_102 : i1 to i32
      %cond3A_104 = arith.constant 0 : i32
      %cond3A_105 = arith.cmpi ne, %convert_element_type3A_103, %cond3A_104 : i32
      scf.if %cond3A_105 {
        %sub3A = arith.constant 1 : i32
        %sub3A_124 = arith.subi %add3A_89, %sub3A : i32
        %dma_wait3A_125 = arith.constant 0 : i32
        %dma_wait3A_126 = arith.constant 0 : i32
        %dma_wait3A_127 = arith.constant 0 : i32
        %dma_wait3A_128 = tpu.memref_slice %arg9[%dma_wait3A_125, %dma_wait3A_126, %dma_wait3A_127] : memref<2x128x128xf32, #tpu.memory_space<vmem>> -> memref<1x128x128xf32, #tpu.memory_space<vmem>>
        %dma_wait3A_129 = tpu.memref_squeeze %dma_wait3A_128 : memref<1x128x128xf32, #tpu.memory_space<vmem>> -> memref<128x128xf32, #tpu.memory_space<vmem>>
        %dma_wait3A_130 = arith.constant 0 : i32
        %dma_wait3A_131 = tpu.memref_slice %arg8[%sub3A_124, %dma_wait3A_130] : memref<40x128xi32, #tpu.memory_space<vmem>> -> memref<1x128xi32, #tpu.memory_space<vmem>>
        %dma_wait3A_132 = tpu.memref_squeeze %dma_wait3A_131 : memref<1x128xi32, #tpu.memory_space<vmem>> -> memref<128xi32, #tpu.memory_space<vmem>>
        %dma_wait3A_133 = arith.constant 0 : i32
        %dma_wait3A_134 = arith.constant 0 : i32
        %dma_wait3A_135 = tpu.memref_slice %arg10[%dma_wait3A_133, %dma_wait3A_134] : memref<10240x128xf32, #tpu.memory_space<vmem_shared>> -> memref<10240x128xf32, #tpu.memory_space<vmem_shared>>
        tpu.wait_indirect_dma semaphore(%arg13 : memref<!tpu.dma_semaphore, #tpu.memory_space<semaphore_mem>>) src(%dma_wait3A_129 : memref<128x128xf32, #tpu.memory_space<vmem>>) dst(%dma_wait3A_135 : memref<10240x128xf32, #tpu.memory_space<vmem_shared>>)
      } else {
      }
      %dma_start3A_106 = arith.constant 1 : i32
      %dma_start3A_107 = arith.constant 0 : i32
      %dma_start3A_108 = arith.constant 0 : i32
      %dma_start3A_109 = tpu.memref_slice %arg9[%dma_start3A_106, %dma_start3A_107, %dma_start3A_108] : memref<2x128x128xf32, #tpu.memory_space<vmem>> -> memref<1x128x128xf32, #tpu.memory_space<vmem>>
      %dma_start3A_110 = tpu.memref_squeeze %dma_start3A_109 : memref<1x128x128xf32, #tpu.memory_space<vmem>> -> memref<128x128xf32, #tpu.memory_space<vmem>>
      %dma_start3A_111 = arith.constant 0 : i32
      %dma_start3A_112 = tpu.memref_slice %arg8[%add3A_89, %dma_start3A_111] : memref<40x128xi32, #tpu.memory_space<vmem>> -> memref<1x128xi32, #tpu.memory_space<vmem>>
      %dma_start3A_113 = tpu.memref_squeeze %dma_start3A_112 : memref<1x128xi32, #tpu.memory_space<vmem>> -> memref<128xi32, #tpu.memory_space<vmem>>
      %dma_start3A_114 = arith.constant 0 : i32
      %dma_start3A_115 = arith.constant 0 : i32
      %dma_start3A_116 = tpu.memref_slice %arg10[%dma_start3A_114, %dma_start3A_115] : memref<10240x128xf32, #tpu.memory_space<vmem_shared>> -> memref<10240x128xf32, #tpu.memory_space<vmem_shared>>
      tpu.enqueue_indirect_dma source(%dma_start3A_110 : memref<128x128xf32, #tpu.memory_space<vmem>>) target(%dma_start3A_116 : memref<10240x128xf32, #tpu.memory_space<vmem_shared>>) offsets(%dma_start3A_113 : memref<128xi32, #tpu.memory_space<vmem>>) semaphore(%arg14 : memref<!tpu.dma_semaphore, #tpu.memory_space<semaphore_mem>>) {add = true}
      %add3A_117 = arith.constant 1 : i32
      %add3A_118 = arith.addi %add3A_89, %add3A_117 : i32
      %lt3A_119 = arith.constant 40 : i32
      %lt3A_120 = arith.cmpi slt, %add3A_118, %lt3A_119 : i32
      %convert_element_type3A_121 = arith.extui %lt3A_120 : i1 to i32
      %cond3A_122 = arith.constant 0 : i32
      %cond3A_123 = arith.cmpi ne, %convert_element_type3A_121, %cond3A_122 : i32
      scf.if %cond3A_123 {
        %add3A_124 = arith.constant 1 : i32
        %add3A_125 = arith.addi %add3A_89, %add3A_124 : i32
        %dma_start3A_126 = arith.constant 0 : i32
        %dma_start3A_127 = arith.constant 0 : i32
        %dma_start3A_128 = arith.constant 0 : i32
        %dma_start3A_129 = tpu.memref_slice %arg9[%dma_start3A_126, %dma_start3A_127, %dma_start3A_128] : memref<2x128x128xf32, #tpu.memory_space<vmem>> -> memref<1x64x128xf32, #tpu.memory_space<vmem>>
        %dma_start3A_130 = tpu.memref_squeeze %dma_start3A_129 : memref<1x64x128xf32, #tpu.memory_space<vmem>> -> memref<64x128xf32, #tpu.memory_space<vmem>>
        %dma_start3A_131 = arith.constant 0 : i32
        %dma_start3A_132 = tpu.memref_slice %arg7[%add3A_125, %dma_start3A_131] : memref<40x128xi32, #tpu.memory_space<vmem>> -> memref<1x64xi32, #tpu.memory_space<vmem>>
        %dma_start3A_133 = tpu.memref_squeeze %dma_start3A_132 : memref<1x64xi32, #tpu.memory_space<vmem>> -> memref<64xi32, #tpu.memory_space<vmem>>
        %dma_start3A_134 = arith.constant 0 : i32
        %dma_start3A_135 = arith.constant 0 : i32
        %dma_start3A_136 = tpu.memref_slice %arg2[%dma_start3A_134, %dma_start3A_135] : memref<10000x128xf32, #tpu.memory_space<hbm>> -> memref<10000x128xf32, #tpu.memory_space<hbm>>
        tpu.enqueue_indirect_dma source(%dma_start3A_136 : memref<10000x128xf32, #tpu.memory_space<hbm>>) target(%dma_start3A_130 : memref<64x128xf32, #tpu.memory_space<vmem>>) offsets(%dma_start3A_133 : memref<64xi32, #tpu.memory_space<vmem>>) semaphore(%arg11 : memref<!tpu.dma_semaphore, #tpu.memory_space<semaphore_mem>>)
        %dma_start3A_137 = arith.constant 0 : i32
        %dma_start3A_138 = arith.constant 64 : i32
        %dma_start3A_139 = arith.constant 0 : i32
        %dma_start3A_140 = tpu.memref_slice %arg9[%dma_start3A_137, %dma_start3A_138, %dma_start3A_139] : memref<2x128x128xf32, #tpu.memory_space<vmem>> -> memref<1x64x128xf32, #tpu.memory_space<vmem>>
        %dma_start3A_141 = tpu.memref_squeeze %dma_start3A_140 : memref<1x64x128xf32, #tpu.memory_space<vmem>> -> memref<64x128xf32, #tpu.memory_space<vmem>>
        %dma_start3A_142 = arith.constant 64 : i32
        %dma_start3A_143 = tpu.memref_slice %arg7[%add3A_125, %dma_start3A_142] : memref<40x128xi32, #tpu.memory_space<vmem>> -> memref<1x64xi32, #tpu.memory_space<vmem>>
        %dma_start3A_144 = tpu.memref_squeeze %dma_start3A_143 : memref<1x64xi32, #tpu.memory_space<vmem>> -> memref<64xi32, #tpu.memory_space<vmem>>
        %dma_start3A_145 = arith.constant 0 : i32
        %dma_start3A_146 = arith.constant 0 : i32
        %dma_start3A_147 = tpu.memref_slice %arg2[%dma_start3A_145, %dma_start3A_146] : memref<10000x128xf32, #tpu.memory_space<hbm>> -> memref<10000x128xf32, #tpu.memory_space<hbm>>
        tpu.enqueue_indirect_dma source(%dma_start3A_147 : memref<10000x128xf32, #tpu.memory_space<hbm>>) target(%dma_start3A_141 : memref<64x128xf32, #tpu.memory_space<vmem>>) offsets(%dma_start3A_144 : memref<64xi32, #tpu.memory_space<vmem>>) semaphore(%arg11 : memref<!tpu.dma_semaphore, #tpu.memory_space<semaphore_mem>>)
      } else {
      }
    }
    %scan3A_36 = arith.constant 20 : i32
    %dma_wait3A = arith.constant 1 : i32
    %dma_wait3A_37 = arith.constant 39 : i32
    %dma_wait3A_38 = arith.constant 0 : i32
    %dma_wait3A_39 = arith.constant 0 : i32
    %dma_wait3A_40 = tpu.memref_slice %arg9[%dma_wait3A, %dma_wait3A_38, %dma_wait3A_39] : memref<2x128x128xf32, #tpu.memory_space<vmem>> -> memref<1x128x128xf32, #tpu.memory_space<vmem>>
    %dma_wait3A_41 = tpu.memref_squeeze %dma_wait3A_40 : memref<1x128x128xf32, #tpu.memory_space<vmem>> -> memref<128x128xf32, #tpu.memory_space<vmem>>
    %dma_wait3A_42 = arith.constant 0 : i32
    %dma_wait3A_43 = tpu.memref_slice %arg8[%dma_wait3A_37, %dma_wait3A_42] : memref<40x128xi32, #tpu.memory_space<vmem>> -> memref<1x128xi32, #tpu.memory_space<vmem>>
    %dma_wait3A_44 = tpu.memref_squeeze %dma_wait3A_43 : memref<1x128xi32, #tpu.memory_space<vmem>> -> memref<128xi32, #tpu.memory_space<vmem>>
    %dma_wait3A_45 = arith.constant 0 : i32
    %dma_wait3A_46 = arith.constant 0 : i32
    %dma_wait3A_47 = tpu.memref_slice %arg10[%dma_wait3A_45, %dma_wait3A_46] : memref<10240x128xf32, #tpu.memory_space<vmem_shared>> -> memref<10240x128xf32, #tpu.memory_space<vmem_shared>>
    tpu.wait_indirect_dma semaphore(%arg14 : memref<!tpu.dma_semaphore, #tpu.memory_space<semaphore_mem>>) src(%dma_wait3A_41 : memref<128x128xf32, #tpu.memory_space<vmem>>) dst(%dma_wait3A_47 : memref<10240x128xf32, #tpu.memory_space<vmem_shared>>)
    %barrier3A_48 = arith.constant 0 : index
    tpu.barrier barrier_id(%barrier3A_48)
    %mul3A_49 = arith.constant 640 : i32
    %mul3A_50 = arith.muli %arg1, %mul3A_49 : i32
    %mul3A_51 = arith.constant 640 : i32
    %mul3A_52 = arith.muli %arg1, %mul3A_51 : i32
    "tpu.region"() ({
      %run_scoped3A = tpu.sem_alloc : memref<!tpu.dma_semaphore, #tpu.memory_space<semaphore_mem>>
      %dma_start3A_53 = arith.constant 0 : i32
      %dma_start3A_54 = tpu.memref_slice %arg6[%arg0, %mul3A_52, %dma_start3A_53] : memref<2x10240x128xf32, #tpu.memory_space<hbm>> -> memref<1x640x128xf32, #tpu.memory_space<hbm>>
      %dma_start3A_55 = tpu.memref_squeeze %dma_start3A_54 : memref<1x640x128xf32, #tpu.memory_space<hbm>> -> memref<640x128xf32, #tpu.memory_space<hbm>>
      %dma_start3A_56 = arith.constant 0 : i32
      %dma_start3A_57 = tpu.memref_slice %arg10[%mul3A_50, %dma_start3A_56] : memref<10240x128xf32, #tpu.memory_space<vmem_shared>> -> memref<640x128xf32, #tpu.memory_space<vmem_shared>>
      tpu.enqueue_dma source(%dma_start3A_57 : memref<640x128xf32, #tpu.memory_space<vmem_shared>>) target(%dma_start3A_55 : memref<640x128xf32, #tpu.memory_space<hbm>>) target_semaphore(%run_scoped3A : memref<!tpu.dma_semaphore, #tpu.memory_space<semaphore_mem>>)
      %dma_wait3A_58 = arith.constant 0 : i32
      %dma_wait3A_59 = tpu.memref_slice %arg6[%arg0, %mul3A_52, %dma_wait3A_58] : memref<2x10240x128xf32, #tpu.memory_space<hbm>> -> memref<1x640x128xf32, #tpu.memory_space<hbm>>
      %dma_wait3A_60 = tpu.memref_squeeze %dma_wait3A_59 : memref<1x640x128xf32, #tpu.memory_space<hbm>> -> memref<640x128xf32, #tpu.memory_space<hbm>>
      %dma_wait3A_61 = arith.constant 0 : i32
      %dma_wait3A_62 = tpu.memref_slice %arg10[%mul3A_50, %dma_wait3A_61] : memref<10240x128xf32, #tpu.memory_space<vmem_shared>> -> memref<640x128xf32, #tpu.memory_space<vmem_shared>>
      tpu.wait_dma2 semaphore(%run_scoped3A : memref<!tpu.dma_semaphore, #tpu.memory_space<semaphore_mem>>) src(%dma_wait3A_62 : memref<640x128xf32, #tpu.memory_space<vmem_shared>>) dst(%dma_wait3A_60 : memref<640x128xf32, #tpu.memory_space<hbm>>)
      tpu.yield
    }) : () -> ()
    return
  }
}

module attributes {stable_mosaic.version = 14 : i64} {
  func.func @_mm1s_body(%arg0: i32, %arg1: memref<400x256xf32, #tpu.memory_space<vmem>>, %arg2: memref<256x128xf32, #tpu.memory_space<vmem>>, %arg3: memref<2x400x128xf32, #tpu.memory_space<vmem>>, %arg4: memref<400x128xf32, #tpu.memory_space<vmem>>, %arg5: memref<400x1xf32, #tpu.memory_space<vmem>>) attributes {dimension_semantics = [#tpu.dimension_semantics<arbitrary>], iteration_bounds = array<i64: 25>, scalar_prefetch = 0 : i64, scratch_operands = 0 : i64, tpu.core_type = #tpu.core_type<tc>, window_params = [{transform_indices = @transform_0, window_bounds = array<i64: 400, 256>}, {pipeline_mode = #tpu.pipeline_mode<synchronous>, transform_indices = @transform_1, window_bounds = array<i64: 256, 128>}, {transform_indices = @transform_2, window_bounds = array<i64: 2, 400, 128>}, {transform_indices = @transform_3, window_bounds = array<i64: 400, 128>}, {transform_indices = @transform_4, window_bounds = array<i64: 400, 1>}]} {
    %get3A = arith.constant 0 : index
    %get3A_0 = arith.constant 0 : index
    %get3A_1 = arith.constant 0 : index
    %get3A_2 = vector.load %arg3[%get3A, %get3A_0, %get3A_1] : memref<2x400x128xf32, #tpu.memory_space<vmem>>, vector<1x400x1xf32>
    %get3A_3 = vector.shape_cast %get3A_2 : vector<1x400x1xf32> to vector<400xf32>
    %get3A_4 = arith.constant 1 : index
    %get3A_5 = arith.constant 0 : index
    %get3A_6 = arith.constant 0 : index
    %get3A_7 = vector.load %arg3[%get3A_4, %get3A_5, %get3A_6] : memref<2x400x128xf32, #tpu.memory_space<vmem>>, vector<1x400x1xf32>
    %get3A_8 = vector.shape_cast %get3A_7 : vector<1x400x1xf32> to vector<400xf32>
    %add3A = arith.addf %get3A_3, %get3A_8 : vector<400xf32>
    %add3A_9 = arith.constant 1.000000e+00 : f32
    %add3A_10 = vector.broadcast %add3A_9 : f32 to vector<400xf32>
    %add3A_11 = arith.addf %add3A, %add3A_10 : vector<400xf32>
    %rsqrt3A = math.rsqrt %add3A_11 : vector<400xf32>
    %get3A_12 = arith.constant 0 : index
    %get3A_13 = arith.constant 0 : index
    %get3A_14 = vector.load %arg1[%get3A_12, %get3A_13] : memref<400x256xf32, #tpu.memory_space<vmem>>, vector<400x256xf32>
    %get3A_15 = arith.constant 0 : index
    %get3A_16 = arith.constant 0 : index
    %get3A_17 = vector.load %arg2[%get3A_15, %get3A_16] : memref<256x128xf32, #tpu.memory_space<vmem>>, vector<256x128xf32>
    %dot_general3A = arith.constant dense<0.000000e+00> : vector<400x128xf32>
    %dot_general3A_18 = tpu.matmul %get3A_14, %get3A_17, %dot_general3A {dimension_numbers = #tpu.dot_dimension_numbers<[1], [0], [0], [1], [0, 0, 1, 1], [], []>, transpose_lhs_hint = false} : vector<400x256xf32>, vector<256x128xf32>, vector<400x128xf32> -> vector<400x128xf32>
    %broadcast_in_dim3A = vector.shape_cast %rsqrt3A : vector<400xf32> to vector<400x1xf32>
    %mul3A = vector.broadcast %broadcast_in_dim3A : vector<400x1xf32> to vector<400x128xf32>
    %mul3A_19 = arith.mulf %dot_general3A_18, %mul3A : vector<400x128xf32>
    %swap3A = arith.constant 0 : index
    %swap3A_20 = arith.constant 0 : index
    %swap3A_21 = vector.load %arg4[%swap3A, %swap3A_20] : memref<400x128xf32, #tpu.memory_space<vmem>>, vector<400x128xf32>
    tpu.vector_store %arg4[%swap3A, %swap3A_20], %mul3A_19 {strides = array<i32>} : memref<400x128xf32, #tpu.memory_space<vmem>>, vector<400x128xf32>,
    %broadcast_in_dim3A_22 = vector.shape_cast %rsqrt3A : vector<400xf32> to vector<400x1xf32>
    %swap3A_23 = arith.constant 0 : index
    %swap3A_24 = arith.constant 0 : index
    %swap3A_25 = vector.load %arg5[%swap3A_23, %swap3A_24] : memref<400x1xf32, #tpu.memory_space<vmem>>, vector<400x1xf32>
    tpu.vector_store %arg5[%swap3A_23, %swap3A_24], %broadcast_in_dim3A_22 {strides = array<i32>} : memref<400x1xf32, #tpu.memory_space<vmem>>, vector<400x1xf32>,
    return
  }
  func.func @transform_0(%arg0: i32) -> (i32, i32) {
    %c0_i32 = arith.constant 0 : i32
    %c0_i32_0 = arith.constant 0 : i32
    return %arg0, %c0_i32 : i32, i32
  }
  func.func @transform_1(%arg0: i32) -> (i32, i32) {
    %c0_i32 = arith.constant 0 : i32
    %c0_i32_0 = arith.constant 0 : i32
    %c0_i32_1 = arith.constant 0 : i32
    return %c0_i32, %c0_i32_0 : i32, i32
  }
  func.func @transform_2(%arg0: i32) -> (i32, i32, i32) {
    %c0_i32 = arith.constant 0 : i32
    %c0_i32_0 = arith.constant 0 : i32
    %c0_i32_1 = arith.constant 0 : i32
    return %c0_i32, %arg0, %c0_i32_0 : i32, i32, i32
  }
  func.func @transform_3(%arg0: i32) -> (i32, i32) {
    %c0_i32 = arith.constant 0 : i32
    %c0_i32_0 = arith.constant 0 : i32
    return %arg0, %c0_i32 : i32, i32
  }
  func.func @transform_4(%arg0: i32) -> (i32, i32) {
    %c0_i32 = arith.constant 0 : i32
    %c0_i32_0 = arith.constant 0 : i32
    return %arg0, %c0_i32 : i32, i32
  }
}

module attributes {stable_mosaic.version = 14 : i64} {
  func.func @_mm2_body(%arg0: i32, %arg1: memref<2x400x128xf32, #tpu.memory_space<vmem>>, %arg2: memref<400x128xf32, #tpu.memory_space<vmem>>, %arg3: memref<400x1xf32, #tpu.memory_space<vmem>>, %arg4: memref<1x128xf32, #tpu.memory_space<vmem>>, %arg5: memref<128x128xf32, #tpu.memory_space<vmem>>, %arg6: memref<400x128xf32, #tpu.memory_space<vmem>>) attributes {dimension_semantics = [#tpu.dimension_semantics<arbitrary>], iteration_bounds = array<i64: 25>, scalar_prefetch = 0 : i64, scratch_operands = 0 : i64, tpu.core_type = #tpu.core_type<tc>, window_params = [{transform_indices = @transform_0, window_bounds = array<i64: 2, 400, 128>}, {transform_indices = @transform_1, window_bounds = array<i64: 400, 128>}, {transform_indices = @transform_2, window_bounds = array<i64: 400, 1>}, {pipeline_mode = #tpu.pipeline_mode<synchronous>, transform_indices = @transform_3, window_bounds = array<i64: 1, 128>}, {pipeline_mode = #tpu.pipeline_mode<synchronous>, transform_indices = @transform_4, window_bounds = array<i64: 128, 128>}, {transform_indices = @transform_5, window_bounds = array<i64: 400, 128>}]} {
    %get3A = arith.constant 0 : index
    %get3A_0 = arith.constant 0 : index
    %get3A_1 = vector.load %arg3[%get3A, %get3A_0] : memref<400x1xf32, #tpu.memory_space<vmem>>, vector<400x1xf32>
    %get3A_2 = arith.constant 0 : index
    %get3A_3 = arith.constant 0 : index
    %get3A_4 = arith.constant 0 : index
    %get3A_5 = vector.load %arg1[%get3A_2, %get3A_3, %get3A_4] : memref<2x400x128xf32, #tpu.memory_space<vmem>>, vector<1x400x128xf32>
    %get3A_6 = vector.shape_cast %get3A_5 : vector<1x400x128xf32> to vector<400x128xf32>
    %get3A_7 = arith.constant 1 : index
    %get3A_8 = arith.constant 0 : index
    %get3A_9 = arith.constant 0 : index
    %get3A_10 = vector.load %arg1[%get3A_7, %get3A_8, %get3A_9] : memref<2x400x128xf32, #tpu.memory_space<vmem>>, vector<1x400x128xf32>
    %get3A_11 = vector.shape_cast %get3A_10 : vector<1x400x128xf32> to vector<400x128xf32>
    %add3A = arith.addf %get3A_6, %get3A_11 : vector<400x128xf32>
    %get3A_12 = arith.constant 0 : index
    %get3A_13 = arith.constant 0 : index
    %get3A_14 = vector.load %arg2[%get3A_12, %get3A_13] : memref<400x128xf32, #tpu.memory_space<vmem>>, vector<400x128xf32>
    %add3A_15 = arith.addf %add3A, %get3A_14 : vector<400x128xf32>
    %mul3A = vector.broadcast %get3A_1 : vector<400x1xf32> to vector<400x128xf32>
    %mul3A_16 = arith.mulf %add3A_15, %mul3A : vector<400x128xf32>
    %get3A_17 = arith.constant 0 : index
    %get3A_18 = arith.constant 0 : index
    %get3A_19 = vector.load %arg4[%get3A_17, %get3A_18] : memref<1x128xf32, #tpu.memory_space<vmem>>, vector<1x128xf32>
    %add3A_20 = vector.broadcast %get3A_19 : vector<1x128xf32> to vector<400x128xf32>
    %add3A_21 = arith.addf %mul3A_16, %add3A_20 : vector<400x128xf32>
    %max3A = arith.constant 0.000000e+00 : f32
    %max3A_22 = vector.broadcast %max3A : f32 to vector<400x128xf32>
    %max3A_23 = arith.maximumf %add3A_21, %max3A_22 : vector<400x128xf32>
    %get3A_24 = arith.constant 0 : index
    %get3A_25 = arith.constant 0 : index
    %get3A_26 = vector.load %arg5[%get3A_24, %get3A_25] : memref<128x128xf32, #tpu.memory_space<vmem>>, vector<128x128xf32>
    %dot_general3A = arith.constant dense<0.000000e+00> : vector<400x128xf32>
    %dot_general3A_27 = tpu.matmul %max3A_23, %get3A_26, %dot_general3A {dimension_numbers = #tpu.dot_dimension_numbers<[1], [0], [0], [1], [0, 0, 1, 1], [], []>, transpose_lhs_hint = false} : vector<400x128xf32>, vector<128x128xf32>, vector<400x128xf32> -> vector<400x128xf32>
    %mul3A_28 = vector.broadcast %get3A_1 : vector<400x1xf32> to vector<400x128xf32>
    %mul3A_29 = arith.mulf %dot_general3A_27, %mul3A_28 : vector<400x128xf32>
    %swap3A = arith.constant 0 : index
    %swap3A_30 = arith.constant 0 : index
    %swap3A_31 = vector.load %arg6[%swap3A, %swap3A_30] : memref<400x128xf32, #tpu.memory_space<vmem>>, vector<400x128xf32>
    tpu.vector_store %arg6[%swap3A, %swap3A_30], %mul3A_29 {strides = array<i32>} : memref<400x128xf32, #tpu.memory_space<vmem>>, vector<400x128xf32>,
    return
  }
  func.func @transform_0(%arg0: i32) -> (i32, i32, i32) {
    %c0_i32 = arith.constant 0 : i32
    %c0_i32_0 = arith.constant 0 : i32
    %c0_i32_1 = arith.constant 0 : i32
    return %c0_i32, %arg0, %c0_i32_0 : i32, i32, i32
  }
  func.func @transform_1(%arg0: i32) -> (i32, i32) {
    %c0_i32 = arith.constant 0 : i32
    %c0_i32_0 = arith.constant 0 : i32
    return %arg0, %c0_i32 : i32, i32
  }
  func.func @transform_2(%arg0: i32) -> (i32, i32) {
    %c0_i32 = arith.constant 0 : i32
    %c0_i32_0 = arith.constant 0 : i32
    return %arg0, %c0_i32 : i32, i32
  }
  func.func @transform_3(%arg0: i32) -> (i32, i32) {
    %c0_i32 = arith.constant 0 : i32
    %c0_i32_0 = arith.constant 0 : i32
    %c0_i32_1 = arith.constant 0 : i32
    return %c0_i32, %c0_i32_0 : i32, i32
  }
  func.func @transform_4(%arg0: i32) -> (i32, i32) {
    %c0_i32 = arith.constant 0 : i32
    %c0_i32_0 = arith.constant 0 : i32
    %c0_i32_1 = arith.constant 0 : i32
    return %c0_i32, %c0_i32_0 : i32, i32
  }
  func.func @transform_5(%arg0: i32) -> (i32, i32) {
    %c0_i32 = arith.constant 0 : i32
    %c0_i32_0 = arith.constant 0 : i32
    return %arg0, %c0_i32 : i32, i32
  }
}

module attributes {stable_mosaic.version = 14 : i64} {
  func.func @_final_body(%arg0: i32, %arg1: memref<2x400x128xf32, #tpu.memory_space<vmem>>, %arg2: memref<400x128xf32, #tpu.memory_space<vmem>>, %arg3: memref<400x1xf32, #tpu.memory_space<vmem>>, %arg4: memref<1x64xf32, #tpu.memory_space<vmem>>, %arg5: memref<400x64xf32, #tpu.memory_space<vmem>>) attributes {dimension_semantics = [#tpu.dimension_semantics<arbitrary>], iteration_bounds = array<i64: 25>, scalar_prefetch = 0 : i64, scratch_operands = 0 : i64, tpu.core_type = #tpu.core_type<tc>, window_params = [{transform_indices = @transform_0, window_bounds = array<i64: 2, 400, 128>}, {transform_indices = @transform_1, window_bounds = array<i64: 400, 128>}, {transform_indices = @transform_2, window_bounds = array<i64: 400, 1>}, {pipeline_mode = #tpu.pipeline_mode<synchronous>, transform_indices = @transform_3, window_bounds = array<i64: 1, 64>}, {transform_indices = @transform_4, window_bounds = array<i64: 400, 64>}]} {
    %get3A = arith.constant 0 : index
    %get3A_0 = arith.constant 0 : index
    %get3A_1 = arith.constant 0 : index
    %get3A_2 = vector.load %arg1[%get3A, %get3A_0, %get3A_1] : memref<2x400x128xf32, #tpu.memory_space<vmem>>, vector<1x400x128xf32>
    %get3A_3 = vector.shape_cast %get3A_2 : vector<1x400x128xf32> to vector<400x128xf32>
    %get3A_4 = arith.constant 1 : index
    %get3A_5 = arith.constant 0 : index
    %get3A_6 = arith.constant 0 : index
    %get3A_7 = vector.load %arg1[%get3A_4, %get3A_5, %get3A_6] : memref<2x400x128xf32, #tpu.memory_space<vmem>>, vector<1x400x128xf32>
    %get3A_8 = vector.shape_cast %get3A_7 : vector<1x400x128xf32> to vector<400x128xf32>
    %add3A = arith.addf %get3A_3, %get3A_8 : vector<400x128xf32>
    %get3A_9 = arith.constant 0 : index
    %get3A_10 = arith.constant 0 : index
    %get3A_11 = vector.load %arg2[%get3A_9, %get3A_10] : memref<400x128xf32, #tpu.memory_space<vmem>>, vector<400x128xf32>
    %add3A_12 = arith.addf %add3A, %get3A_11 : vector<400x128xf32>
    %get3A_13 = arith.constant 0 : index
    %get3A_14 = arith.constant 0 : index
    %get3A_15 = vector.load %arg3[%get3A_13, %get3A_14] : memref<400x1xf32, #tpu.memory_space<vmem>>, vector<400x1xf32>
    %mul3A = vector.broadcast %get3A_15 : vector<400x1xf32> to vector<400x128xf32>
    %mul3A_16 = arith.mulf %add3A_12, %mul3A : vector<400x128xf32>
    %slice3A = vector.extract_strided_slice %mul3A_16 {offsets = [0, 0], sizes = [400, 64], strides = [1, 1]} : vector<400x128xf32> to vector<400x64xf32>
    %get3A_17 = arith.constant 0 : index
    %get3A_18 = arith.constant 0 : index
    %get3A_19 = vector.load %arg4[%get3A_17, %get3A_18] : memref<1x64xf32, #tpu.memory_space<vmem>>, vector<1x64xf32>
    %add3A_20 = vector.broadcast %get3A_19 : vector<1x64xf32> to vector<400x64xf32>
    %add3A_21 = arith.addf %slice3A, %add3A_20 : vector<400x64xf32>
    %swap3A = arith.constant 0 : index
    %swap3A_22 = arith.constant 0 : index
    %swap3A_23 = vector.load %arg5[%swap3A, %swap3A_22] : memref<400x64xf32, #tpu.memory_space<vmem>>, vector<400x64xf32>
    tpu.vector_store %arg5[%swap3A, %swap3A_22], %add3A_21 {strides = array<i32>} : memref<400x64xf32, #tpu.memory_space<vmem>>, vector<400x64xf32>,
    return
  }
  func.func @transform_0(%arg0: i32) -> (i32, i32, i32) {
    %c0_i32 = arith.constant 0 : i32
    %c0_i32_0 = arith.constant 0 : i32
    %c0_i32_1 = arith.constant 0 : i32
    return %c0_i32, %arg0, %c0_i32_0 : i32, i32, i32
  }
  func.func @transform_1(%arg0: i32) -> (i32, i32) {
    %c0_i32 = arith.constant 0 : i32
    %c0_i32_0 = arith.constant 0 : i32
    return %arg0, %c0_i32 : i32, i32
  }
  func.func @transform_2(%arg0: i32) -> (i32, i32) {
    %c0_i32 = arith.constant 0 : i32
    %c0_i32_0 = arith.constant 0 : i32
    return %arg0, %c0_i32 : i32, i32
  }
  func.func @transform_3(%arg0: i32) -> (i32, i32) {
    %c0_i32 = arith.constant 0 : i32
    %c0_i32_0 = arith.constant 0 : i32
    %c0_i32_1 = arith.constant 0 : i32
    return %c0_i32, %c0_i32_0 : i32, i32
  }
  func.func @transform_4(%arg0: i32) -> (i32, i32) {
    %c0_i32 = arith.constant 0 : i32
    %c0_i32_0 = arith.constant 0 : i32
    return %arg0, %c0_i32 : i32, i32
  }
}

</mosaic_0001>

<sc_bundles>
// kernel: kernel.11.cloned.1.call-start
scs
__scs_entry_jumppad:
0x0: {  	(pc) =	sbr.rel $0x88, $3  }
0x1: {  	(tag) =	ssettag $0x0;
	lr =	simm.s32 $0x1  }
0x2: {  	[smem:$0x3F9B] =	sst lr;
	_ =	strace $0xD0000000  }
0x3: {  	_ = 	snop  }
0x4: {  	_ = 	snop  }
0x5: {  	_ = 	snop  }
0x6: {  	_ = 	snop  }
0x7: {  	_ = 	snop  }
__scs_overlays_trampoline_lowered:
0x8: {  	[smem:$0x3FAA] =	sst s0  }
0x9: {  	[smem:$0x3FAB] =	sst s1  }
0xa: {  	[smem:$0x3FAC] =	sst s2  }
0xb: {  	[smem:$0x3FAD] =	sst s3  }
0xc: {  	[smem:$0x3FAE] =	sst s4  }
0xd: {  	[smem:$0x3FAF] =	sst s5  }
0xe: {  	[smem:$0x3FB0] =	sst s6  }
0xf: {  	[smem:$0x3FB1] =	sst s7  }
0x10: {  	[smem:$0x3FB2] =	sst s8  }
0x11: {  	[smem:$0x3FB3] =	sst s9;
	s0 =	simm.s32 @!p0 $0x0  }
0x12: {  	s1 =	sld [smem:$0x3F99];
	s0 =	simm.s32 @p0 $0x1  }
0x13: {  	[smem:$0x3FB4] =	sst s0;
	s0 =	simm.s32 @!p1 $0x0  }
0x14: {  	s2 =	sld [smem:$0x3F98];
	s0 =	simm.s32 @p1 $0x1  }
0x15: {  	[smem:$0x3FB5] =	sst s0;
	s0 =	simm.s32 @!p2 $0x0  }
0x16: {  	s3 =	sld [smem:$0x3FDB];
	s0 =	simm.s32 @p2 $0x1  }
0x17: {  	s4 =	simm.s32 $0x1BF5;
	[smem:$0x3FB7] =	sst s0  }
0x18: {  	s0 =	sld [smem:$0x3F9A];
	_ =	swait.ge [sflag:s4], $0x0  }
0x19: {  	s7 =	sld [smem:$0x3F9B]  }
0x1a: {  	s8 =	sadd.s32 $0xFFFFE003, lr  }
0x1b: {  	s9 =	sadd.s32 $0xFFFFFEF7, lr;
	s5 =	simm.s32 $0xFFFFFFFF;
	p2 =	slt.u32 s8, $0xFFFFF086  }
0x1c: {  	p1 =	slt.u32 s9, $0xF7A;
	s5 =	simm.s32 @!p2 $0x0  }
0x1d: {  	s5 =	simm.s32 @p1 $0x1;
	p0 =	seq.s32 s7, s2  }
0x1e: {  	s7 =	smul.u32 @!p0 $0xF7A, s2;
	p2 =	seq.s32 @!p0 s5, $0x0  }
0x1f: {  	s9 =	smul.u32 $0xF7A, s1;
	s8 =	simm.s32 @!p0 $0x1BF5;
	p2 =	por !p2, p0  }
0x20: {  	[sflag:s8] =	ssyncset.s32 @!p0 $0xFFFFF086;
	s6 =	sadd.s32 @!p0 s3, s7;
	s7 =	simm.s32 @!p0 $0x108  }
0x21: {  	s3 =	sadd.s32 s3, s9;
	s6 =	sadd.s32 @!p0 $0x88, s6;
	s7 =	simm.s32 @p2 $0x1082  }
0x22: {  	[simem:s7], [sflag:s8] =	dma.local @!p0 [hbm:s6], $0xF7A  }
0x23: {  	s9 =	sor.u32 $0xD0000000, s2;
	s6 =	simm.s32 $0x108;
	_ =	swait.ge @!p0 [sflag:s8], $0x0  }
0x24: {  	s3 =	sadd.s32 $0x88, s3;
	s6 =	simm.s32 @!p1 $0x1082;
	[sflag:s4] =	ssyncset.s32 $0xFFFFF086  }
0x25: {  	[simem:s6], [sflag:s4] =	dma.local [hbm:s3], $0xF7A  }
0x26: {  	[smem:$0x3F9B] =	sst s1;
	(tag) =	ssettag s2;
	_ =	strace s9  }
0x27: {  	s1 =	sld [smem:$0x3FAB]  }
0x28: {  	s2 =	sld [smem:$0x3FAC]  }
0x29: {  	s4 =	sld [smem:$0x3FAE]  }
0x2a: {  	p0 =	seq.s32 s5, $0x0;
	s5 =	sld [smem:$0x3FAF]  }
0x2b: {  	s6 =	sld [smem:$0x3FB0]  }
0x2c: {  	s7 =	sld [smem:$0x3FB1]  }
0x2d: {  	s3 =	simm.s32 $0x108;
	s8 =	sld [smem:$0x3FB2]  }
0x2e: {  	s3 =	simm.s32 @!p0 $0x1082;
	s9 =	sld [smem:$0x3FB3]  }
0x2f: {  	lr =	sadd.s32 s0, s3;
	s0 =	sld [smem:$0x3FAA]  }
0x30: {  	s3 =	sld [smem:$0x3FAD]  }
0x31: {  	[smem:$0x3FB6] =	sst s10  }
0x32: {  	s10 =	sld [smem:$0x3FB4];
	_ =	sdelay $0x3  }
0x33: {  	p0 =	seq.s32 s10, $0x1;
	s10 =	sld [smem:$0x3FB6];
	_ =	sdelay $0x3  }
0x34: {  	[smem:$0x3FB6] =	sst s10  }
0x35: {  	s10 =	sld [smem:$0x3FB5];
	_ =	sdelay $0x3  }
0x36: {  	p1 =	seq.s32 s10, $0x1;
	s10 =	sld [smem:$0x3FB6];
	_ =	sdelay $0x3  }
0x37: {  	[smem:$0x3FB6] =	sst s10  }
0x38: {  	s10 =	sld [smem:$0x3FB7]  }
0x39: {  	_ = 	snop;
	(pc) =	sbr.ind lr, $3  }
0x3a: {  	_ = 	snop  }
0x3b: {  	_ = 	snop  }
0x3c: {  	p2 =	seq.s32 s10, $0x1;
	s10 =	sld [smem:$0x3FB6]  }
0x3d: {  	_ =	shalt  }
0x3e: {  	_ =	shalt  }
0x3f: {  	_ =	shalt  }
0x40: {  	_ =	shalt  }
0x41: {  	_ =	shalt  }
0x42: {  	_ =	shalt  }
0x43: {  	_ =	shalt  }
0x44: {  	_ =	shalt  }
0x45: {  	_ =	shalt  }
0x46: {  	_ =	shalt  }
0x47: {  	_ =	shalt  }
0x48: {  	_ =	shalt  }
0x49: {  	_ =	shalt  }
0x4a: {  	_ =	shalt  }
0x4b: {  	_ =	shalt  }
0x4c: {  	_ =	shalt  }
0x4d: {  	_ =	shalt  }
0x4e: {  	_ =	shalt  }
0x4f: {  	_ =	shalt  }
0x50: {  	_ =	shalt  }
0x51: {  	_ =	shalt  }
0x52: {  	_ =	shalt  }
0x53: {  	_ =	shalt  }
0x54: {  	_ =	shalt  }
0x55: {  	_ =	shalt  }
0x56: {  	_ =	shalt  }
0x57: {  	_ =	shalt  }
0x58: {  	_ =	shalt  }
0x59: {  	_ =	shalt  }
0x5a: {  	_ =	shalt  }
0x5b: {  	_ =	shalt  }
0x5c: {  	_ =	shalt  }
0x5d: {  	_ =	shalt  }
0x5e: {  	_ =	shalt  }
0x5f: {  	_ =	shalt  }
0x60: {  	_ =	shalt  }
0x61: {  	_ =	shalt  }
0x62: {  	_ =	shalt  }
0x63: {  	_ =	shalt  }
0x64: {  	_ =	shalt  }
0x65: {  	_ =	shalt  }
0x66: {  	_ =	shalt  }
0x67: {  	_ =	shalt  }
0x68: {  	_ =	shalt  }
0x69: {  	_ =	shalt  }
0x6a: {  	_ =	shalt  }
0x6b: {  	_ =	shalt  }
0x6c: {  	_ =	shalt  }
0x6d: {  	_ =	shalt  }
0x6e: {  	_ =	shalt  }
0x6f: {  	_ =	shalt  }
0x70: {  	_ =	shalt  }
0x71: {  	_ =	shalt  }
0x72: {  	_ =	shalt  }
0x73: {  	_ =	shalt  }
0x74: {  	_ =	shalt  }
0x75: {  	_ =	shalt  }
0x76: {  	_ =	shalt  }
0x77: {  	_ =	shalt  }
0x78: {  	_ =	shalt  }
0x79: {  	_ =	shalt  }
0x7a: {  	_ =	shalt  }
0x7b: {  	_ =	shalt  }
0x7c: {  	_ =	shalt  }
0x7d: {  	_ =	shalt  }
0x7e: {  	_ =	shalt  }
0x7f: {  	_ =	shalt  }
0x80: {  	_ =	shalt  }
0x81: {  	_ =	shalt  }
0x82: {  	_ =	shalt  }
0x83: {  	_ =	shalt  }
0x84: {  	_ =	shalt  }
0x85: {  	_ =	shalt  }
0x86: {  	_ =	shalt  }
0x87: {  	_ =	shalt  }
.Lfunc_end0:
.L_simem_size_0:
called_computation.1_lowered:
.L_overlay_start_0:
0x88: {  	s2 =	sld [smem:$0x3FD9]  }
0x89: {  	s3 =	sld [smem:$0x3FFE];
	_ =	sdelay $0x1  }
0x8a: {  	s1 =	srdreg.scid  }
0x8b: {  	s0 =	sand.u32 $0x1, s1  }
0x8c: {  	s17 =	sshll.u32 s0, $0xA;
	s2 =	sadd.s32 s3, s2  }
0x8d: {  	s2 =	sadd.s32 s2, s17  }
0x8e: {  	[smem:$0x3FC2] =	sst s2  }
0x8f: {  	_ = 	snop  }
0x90: {  	s2 =	sld [smem:$0x3FD0];
	(tm) =	ssettm $0x1  }
0x91: {  	s18 =	sld [smem:$0x3FFB];
	_ =	sdelay $0x3  }
0x92: {  	_ =	strace s18  }
0x93: {  	s3 =	sld [smem:$0x3FFC];
	_ =	sdelay $0x3  }
0x94: {  	_ =	strace s3  }
0x95: {  	s3 =	sld [smem:$0x3FFD];
	_ =	sdelay $0x3  }
0x96: {  	_ =	strace s3  }
0x97: {  	_ =	strace $0x8FFFFFFF  }
0x98: {  	s19 =	sld [smem:$0x3FDB];
	_ =	sdelay $0x1  }
0x99: {  	s4 =	simm.s32 $_scs_section_size  }
0x9a: {  	s5 =	simm.s32 $_size__tile_overlayer_lowered;
	s6 =	simm.s32 $_tile_overlayer_lowered  }
0x9b: {  	s22 =	simm.s32 $0x1BFF;
	s21 =	sshll.u32 s6, $0x1;
	s3 =	sadd.s32 s4, s19  }
0x9c: {  	s7 =	simm.s32 $0x0;
	s20 =	sshll.u32 s5, $0x1;
	s5 =	sadd.s32 s21, s3  }
0x9d: {  	[timem:s7], [sflag:s22] =	dma.local [hbm:s5], s20  }
0x9e: {  	_ =	swait.ge [sflag:s22], s20  }
0x9f: {  	s4 =	ssub.s32 $0x0, s20;
	[sflag:s22] =	ssyncset.done $0x0  }
0xa0: {  	[sflag:s22] =	ssyncadd.s32 s4;
	_ =	sdelay $0x1  }
0xa1: {  	s23 =	simm.s32 $0x1B8B  }
0xa2: {  	_ =	swait.ge [sflag:s23], $0x1  }
0xa3: {  	[sflag:s23] =	ssyncset.done $0x0  }
0xa4: {  	s25 =	simm.s32 $0x1B8E;
	s24 =	sld [smem:$0x3FFE];
	[sflag:s23] =	ssyncadd.s32 $0xFFFFFFFF  }
0xa5: {  	s26 =	simm.s32 $execute0_lowered;
	[smem:$0x3FD2] =	sst s25  }
0xa6: {  	s5 =	sshll.u32 s26, $0x1;
	_ =	strace $0x80000049;
	[dreg:$0x1] =	wrdreg $0xFFFFFFFF  }
0xa7: {  	s28 =	simm.s32 $_size_execute0_lowered;
	s3 =	sadd.s32 s3, s5;
	[dreg:$0x0] =	wrdreg $0x0  }
0xa8: {  	s5 =	sshll.u32 s28, $0x1;
	[dreg:$0x2] =	wrdreg s3  }
0xa9: {  	[dreg:$0x3] =	wrdreg s5  }
0xaa: {  	[dreg:$0x4] =	wrdreg $0xC0  }
0xab: {  	_ =	task [dreg:s7], $0x5FFFF  }
0xac: {  	[dreg:$0x1] =	wrdreg $0xFFFFFFFF  }
0xad: {  	[dreg:$0x0] =	wrdreg $0x60  }
0xae: {  	[dreg:$0x2] =	wrdreg s24  }
0xaf: {  	[dreg:$0x3] =	wrdreg s2  }
0xb0: {  	[dreg:$0x4] =	wrdreg $0xA8000  }
0xb1: {  	[dreg:$0x5] =	wrdreg $0x9  }
0xb2: {  	_ =	task.clear_ibuf [dreg:s7], $0x6FFFF;
	_ =	strace $0x90000049  }
0xb3: {  	s29 =	simm.s32 $0x9;
	_ =	strace $0x8000004B  }
0xb4: {  	_ =	swait.ge [sflag:s29], $0x1  }
0xb5: {  	[sflag:s29] =	ssyncadd.s32 $0xFFFFFFFF  }
0xb6: {  	_ =	strace $0x9000004B  }
0xb7: {  	_ =	sfence  }
0xb8: {  	s30 =	sld [smem:$0x0];
	_ =	sdelay $0x2  }
0xb9: {  	s31 =	sshll.u32 s1, $0xD;
	s1 =	sshrl.u32 s1, $0x2  }
0xba: {  	s3 =	sand.u32 $0x4000, s31;
	s1 =	sadd.s32 s1, s30  }
0xbb: {  	s0 =	sor.u32 s3, s0;
	s1 =	sshll.u32 s1, $0x11  }
0xbc: {  	s0 =	sor.u32 s1, s0  }
0xbd: {  	s0 =	sadd.s32 $0x8F2B, s0  }
0xbe: {  	[sflag:s0] =	ssyncadd.remote.s32 $0x1  }
0xbf: {  	_ =	sfence.sel $0xFFFF  }
0xc0: {  	[dreg:$0x0] =	wrdreg $0xFFFFFFFF;
	(pc) =	sbr.abs _section_cstart, $3  }
0xc1: {  	[dreg:$0x1] =	wrdreg $0xFFFFFFFF  }
0xc2: {  	_ =	task.clear_ibuf [dreg:s7], $0x2FFFF;
	_ =	strace $0x9FFFFFFF  }
0xc3: {  	(tm) =	ssettm $0x7FFFFFFF  }
tec
execute0_lowered:
.L_overlay_start_1:
0x0: {  	(tag) =	ssettag $0x1  }
0x1: {  	s6 =	rddreg [dreg:$0x0]  }
0x2: {  	s8 =	rddreg [dreg:$0x1]  }
0x3: {  	s0 =	srdreg.scid;
	s2 =	rddreg [dreg:$0x2];
	s3 =	simm.s32 $0x0  }
0x4: {  	s15 =	simm.s32 $0x2800;
	s16 =	simm.s32 $0x4800;
	s17 =	simm.s32 $0x1  }
0x5: {  	s18 =	simm.s32 $0x80;
	s19 =	simm.s32 $0x6800;
	s20 =	simm.s32 $0xC0  }
0x6: {  	s21 =	simm.s32 $0x8800;
	s22 =	simm.s32 $0x2;
	s23 =	simm.s32 $0x3  }
0x7: {  	s28 =	simm.s32 $0x4;
	s5 =	sand.u32 $0x1, s0;
	s0 =	stileid.u32  }
0x8: {  	s29 =	simm.s32 $0x0;
	[smem:$0x7FF] =	sst s3;
	s7 =	smul.u32 $0x14000, s0  }
0x9: {  	s4 =	sadd.s32 $0x2AA00, s6;
	s1 =	sshll.u32 s5, $0x4;
	s10 =	smul.u32 $0x140000, s5  }
0xa: {  	_ =	strace $0x8000004A;
	s24 =	smul.u32 $0x50000, s0;
	s5 =	ssub.s32 $0x2, s5  }
0xb: {  	s31 =	sshll.u32 s0, $0x6;
	s1 =	sor.u32 s0, s1;
	s25 =	sshrl.u32 s5, $0x1  }
0xc: {  	s9 =	smul.u32 $0x280, s1;
	s12 =	sshrl.u32 s7, $0x3;
	s7 =	sadd.s32 s7, s10  }
0xd: {  	s26 =	sshrl.u32 s24, $0x2;
	s30 =	ssub.s32 s5, s25;
	s24 =	simm.s32 $0x1480  }
0xe: {  	s25 =	simm.s32 $0x100;
	s12 =	sadd.s32 s12, s6;
	s7 =	sshrl.u32 s7, $0x3  }
.Ltmp0:
0xf: {  	s14 =	sadd.s32 s26, s2;
	s10 =	smax.u32 s30, $0x1;
	(pc) =	sbr.rel .LBB2_1-.Ltmp0, $4  }
0x10: {  	s26 =	simm.s32 $0x140;
	s11 =	sadd.s32 s9, s6;
	s13 =	sadd.s32 s7, s6  }
0x11: {  	s5 =	sadd.s32 $0x2A00, s12;
	s6 =	sor.u32 $0x1C05, s31;
	s8 =	sadd.s32 s8, s9  }
0x12: {  	s12 =	simm.s32 $0x5;
	s7 =	sadd.s32 $0x7AA00, s11;
	s9 =	sadd.s32 $0x7FA00, s13  }
0x13: {  	s11 =	sshrl.u32 s14, $0x3;
	s13 =	simm.s32 $0x1400;
	s14 =	simm.s32 $0x40  }
.LBB2_4:
0x14: {  	_ =	swait.ge [sflag:s28], $0x4000  }
0x15: {  	s29 =	sadd.s32 $0x1, s29;
	[sflag:s28] =	ssyncset.done $0x0  }
0x16: {  	p0 =	sne.s32 s29, s10;
	[sflag:s28] =	ssyncadd.s32 $0xFFFFC000  }
.Ltmp1:
0x17: {  	[bflag:$0x0] =	sbarrier.arrive $0xFFFF;
	(pc) =	sbr.rel @!p0 .LBB2_5-.Ltmp1, $4  }
0x18: {  	[hbm:s9], [sflag:s6] =	dma.local [spmem:s11], $0x2800  }
0x19: {  	_ =	swait.ge [sflag:s12], $0x2800  }
0x1a: {  	[sflag:s12] =	ssyncset.done $0x0  }
0x1b: {  	[sflag:s12] =	ssyncadd.s32 $0xFFFFD800  }
.LBB2_1:
0x1c: {  	[spmem:s11], [sflag:s6] =	dma.local [hbm:s5], $0x2800  }
0x1d: {  	_ =	swait.ge [sflag:s12], $0x2800  }
0x1e: {  	[sflag:s12] =	ssyncset.done $0x0  }
0x1f: {  	[sflag:s12] =	ssyncadd.s32 $0xFFFFD800  }
0x20: {  	[tilespmem:s3], [sflag:$0x5] =	stream.linear.gather [hbm4b:s7+s3], $0x1400, $0x38;
	[tilespmem:$0x1E800] =	vst v63  }
0x21: {  	_ =	swait.ge [sflag:s12], $0x1400  }
0x22: {  	[sflag:s12] =	ssyncset.done $0x0  }
0x23: {  	[sflag:s12] =	ssyncadd.s32 $0xFFFFEC00  }
0x24: {  	[tilespmem:s13], [sflag:$0x5] =	stream.linear.gather [hbm4b:s8+s3], $0x1400, $0x38;
	[tilespmem:$0x1E800] =	vst v63  }
0x25: {  	_ =	swait.ge [sflag:s12], $0x1400  }
0x26: {  	[sflag:s12] =	ssyncset.done $0x0  }
0x27: {  	[sflag:s12] =	ssyncadd.s32 $0xFFFFEC00  }
0x28: {  	[bflag:$0x0] =	sbarrier.arrive $0xFFFF  }
0x29: {  	[tilespmem:s15], [sflag:$0x1] =	stream.indirect.gather [hbm4b:s4+s14], $0x80, s3, s14, $0xb8;
	[tilespmem:$0x1E800] =	vst v63  }
0x2a: {  	_ = 	snop  }
0x2b: {  	[tilespmem:s16], [sflag:$0x1] =	stream.indirect.gather [hbm4b:s4+s14], $0x80, s14, s14, $0xb8;
	[tilespmem:$0x1E800] =	vst v63  }
0x2c: {  	_ =	swait.ge [sflag:s17], $0x4000  }
0x2d: {  	[sflag:s17] =	ssyncset.done $0x0  }
0x2e: {  	[sflag:s17] =	ssyncadd.s32 $0xFFFFC000  }
0x2f: {  	[spmem:s2] =	stream.indirect.scatter.add.f32 [tilespmem:s15], [sflag:$0x3], $0x80, s13, s18, $0xb8;
	[tilespmem:$0x1E800] =	vst v63  }
0x30: {  	_ = 	snop  }
0x31: {  	[tilespmem:s19], [sflag:$0x2] =	stream.indirect.gather [hbm4b:s4+s14], $0x80, s18, s14, $0xb8;
	[tilespmem:$0x1E800] =	vst v63  }
0x32: {  	_ = 	snop  }
0x33: {  	[tilespmem:s21], [sflag:$0x2] =	stream.indirect.gather [hbm4b:s4+s14], $0x80, s20, s14, $0xb8;
	[tilespmem:$0x1E800] =	vst v63  }
0x34: {  	_ =	swait.ge [sflag:s22], $0x4000  }
0x35: {  	[sflag:s22] =	ssyncset.done $0x0  }
0x36: {  	[sflag:s22] =	ssyncadd.s32 $0xFFFFC000  }
0x37: {  	_ =	swait.ge [sflag:s23], $0x4000  }
0x38: {  	[sflag:s23] =	ssyncset.done $0x0  }
0x39: {  	[sflag:s23] =	ssyncadd.s32 $0xFFFFC000  }
0x3a: {  	[spmem:s2] =	stream.indirect.scatter.add.f32 [tilespmem:s19], [sflag:$0x4], $0x80, s24, s18, $0xb8;
	[tilespmem:$0x1E800] =	vst v63  }
0x3b: {  	_ = 	snop  }
0x3c: {  	[tilespmem:s15], [sflag:$0x1] =	stream.indirect.gather [hbm4b:s4+s14], $0x80, s25, s14, $0xb8;
	[tilespmem:$0x1E800] =	vst v63  }
0x3d: {  	s30 =	simm.s32 $0x0  }
0x3e: {  	[tilespmem:s16], [sflag:$0x1] =	stream.indirect.gather [hbm4b:s4+s14], $0x80, s26, s14, $0xb8;
	[tilespmem:$0x1E800] =	vst v63  }
.LBB2_2:
0x3f: {  	_ =	swait.ge [sflag:s17], $0x4000  }
0x40: {  	[sflag:s17] =	ssyncset.done $0x0  }
0x41: {  	[sflag:s17] =	ssyncadd.s32 $0xFFFFC000  }
0x42: {  	_ =	swait.ge [sflag:s28], $0x4000  }
0x43: {  	s31 =	sshra.s32 s30, $0x2;
	[sflag:s28] =	ssyncset.done $0x0  }
0x44: {  	s1 =	sadd.s32 $0x1500, s31;
	[sflag:s28] =	ssyncadd.s32 $0xFFFFC000  }
0x45: {  	[spmem:s2] =	stream.indirect.scatter.add.f32 [tilespmem:s15], [sflag:$0x3], $0x80, s1, s18, $0xb8;
	[tilespmem:$0x1E800] =	vst v63  }
0x46: {  	s1 =	sadd.s32 $0x180, s31  }
0x47: {  	[tilespmem:s19], [sflag:$0x2] =	stream.indirect.gather [hbm4b:s4+s14], $0x80, s1, s14, $0xb8;
	[tilespmem:$0x1E800] =	vst v63  }
0x48: {  	s1 =	sadd.s32 $0x1C0, s31  }
0x49: {  	[tilespmem:s21], [sflag:$0x2] =	stream.indirect.gather [hbm4b:s4+s14], $0x80, s1, s14, $0xb8;
	[tilespmem:$0x1E800] =	vst v63  }
0x4a: {  	_ =	swait.ge [sflag:s22], $0x4000  }
0x4b: {  	p0 =	seq.s32 s30, $0x4800;
	[sflag:s22] =	ssyncset.done $0x0  }
.Ltmp2:
0x4c: {  	[sflag:s22] =	ssyncadd.s32 $0xFFFFC000;
	(pc) =	sbr.rel @p0 .LBB2_4-.Ltmp2, $4  }
0x4d: {  	_ =	swait.ge [sflag:s23], $0x4000  }
0x4e: {  	[sflag:s23] =	ssyncset.done $0x0  }
0x4f: {  	s1 =	sadd.s32 $0x1580, s31;
	[sflag:s23] =	ssyncadd.s32 $0xFFFFC000  }
0x50: {  	[spmem:s2] =	stream.indirect.scatter.add.f32 [tilespmem:s19], [sflag:$0x4], $0x80, s1, s18, $0xb8;
	[tilespmem:$0x1E800] =	vst v63  }
.Ltmp3:
0x51: {  	(pc) =	sbr.rel .LBB2_2-.Ltmp3, $4  }
0x52: {  	s1 =	sadd.s32 $0x200, s31  }
0x53: {  	[tilespmem:s15], [sflag:$0x1] =	stream.indirect.gather [hbm4b:s4+s14], $0x80, s1, s14, $0xb8;
	[tilespmem:$0x1E800] =	vst v63  }
0x54: {  	s31 =	sadd.s32 $0x240, s31;
	s30 =	sadd.s32 $0x400, s30  }
0x55: {  	[tilespmem:s16], [sflag:$0x1] =	stream.indirect.gather [hbm4b:s4+s14], $0x80, s31, s14, $0xb8;
	[tilespmem:$0x1E800] =	vst v63  }
.LBB2_5:
0x56: {  	_ =	sfence.sel $0x180000  }
0x57: {  	[bflag:$0x0] =	sbarrier.arrive $0xFFFF  }
0x58: {  	_ =	strace $0x9000004A  }
0x59: {  	[bflag:$0x2] =	sbarrier.arrive $0xFFFF  }
0x5a: {  	p0 =	sne.s32 s0, $0x0;
	s0 =	rddreg [dreg:$0x3]  }
0x5b: {  	s0 =	sadd.s32 @!p0 $0x100000, s0  }
0x5c: {  	[sflag:s0] =	ssyncadd.tile.s32 @!p0 $0x1;
	_ =	shalt  }
.Lfunc_end2:
_tile_overlayer_lowered:
.L_overlay_start_2:
0x5d: {  	(tag) =	ssettag $0x2  }
0x5e: {  	s0 =	rddreg [dreg:$0x0];
	s2 =	stileid.u32  }
0x5f: {  	s1 =	rddreg [dreg:$0x1];
	p0 =	sne.s32 s2, $0x0  }
0x60: {  	s3 =	rddreg [dreg:$0x2];
	[bflag:$0x3] =	sbarrier.arrive $0xFFFF;
	s2 =	simm.s32 @!p0 $0x1C05  }
0x61: {  	[timem:s3], [sflag:s2] =	dma.local @!p0 [hbm:s0], s1  }
0x62: {  	s0 =	simm.s32 @!p0 $0x5  }
0x63: {  	_ =	swait.ge @!p0 [sflag:s0], s1  }
0x64: {  	s1 =	ssub.s32 @!p0 $0x0, s1;
	[sflag:s0] =	ssyncset.done @!p0 $0x0  }
0x65: {  	[sflag:s0] =	ssyncadd.s32 @!p0 s1  }
0x66: {  	[bflag:$0x3] =	sbarrier.arrive $0xFFFF  }
0x67: {  	_ =	shalt  }

// kernel: kernel.14.cloned.1.call-start
scs
__scs_entry_jumppad:
0x0: {  	(pc) =	sbr.rel $0x88, $3  }
0x1: {  	(tag) =	ssettag $0x0;
	lr =	simm.s32 $0x1  }
0x2: {  	[smem:$0x3F9B] =	sst lr;
	_ =	strace $0xD0000000  }
0x3: {  	_ = 	snop  }
0x4: {  	_ = 	snop  }
0x5: {  	_ = 	snop  }
0x6: {  	_ = 	snop  }
0x7: {  	_ = 	snop  }
__scs_overlays_trampoline_lowered:
0x8: {  	[smem:$0x3FAA] =	sst s0  }
0x9: {  	[smem:$0x3FAB] =	sst s1  }
0xa: {  	[smem:$0x3FAC] =	sst s2  }
0xb: {  	[smem:$0x3FAD] =	sst s3  }
0xc: {  	[smem:$0x3FAE] =	sst s4  }
0xd: {  	[smem:$0x3FAF] =	sst s5  }
0xe: {  	[smem:$0x3FB0] =	sst s6  }
0xf: {  	[smem:$0x3FB1] =	sst s7  }
0x10: {  	[smem:$0x3FB2] =	sst s8  }
0x11: {  	[smem:$0x3FB3] =	sst s9;
	s0 =	simm.s32 @!p0 $0x0  }
0x12: {  	s1 =	sld [smem:$0x3F99];
	s0 =	simm.s32 @p0 $0x1  }
0x13: {  	[smem:$0x3FB4] =	sst s0;
	s0 =	simm.s32 @!p1 $0x0  }
0x14: {  	s2 =	sld [smem:$0x3F98];
	s0 =	simm.s32 @p1 $0x1  }
0x15: {  	[smem:$0x3FB5] =	sst s0;
	s0 =	simm.s32 @!p2 $0x0  }
0x16: {  	s3 =	sld [smem:$0x3FDB];
	s0 =	simm.s32 @p2 $0x1  }
0x17: {  	s4 =	simm.s32 $0x1BF5;
	[smem:$0x3FB7] =	sst s0  }
0x18: {  	s0 =	sld [smem:$0x3F9A];
	_ =	swait.ge [sflag:s4], $0x0  }
0x19: {  	s7 =	sld [smem:$0x3F9B]  }
0x1a: {  	s8 =	sadd.s32 $0xFFFFE003, lr  }
0x1b: {  	s9 =	sadd.s32 $0xFFFFFEF7, lr;
	s5 =	simm.s32 $0xFFFFFFFF;
	p2 =	slt.u32 s8, $0xFFFFF086  }
0x1c: {  	p1 =	slt.u32 s9, $0xF7A;
	s5 =	simm.s32 @!p2 $0x0  }
0x1d: {  	s5 =	simm.s32 @p1 $0x1;
	p0 =	seq.s32 s7, s2  }
0x1e: {  	s7 =	smul.u32 @!p0 $0xF7A, s2;
	p2 =	seq.s32 @!p0 s5, $0x0  }
0x1f: {  	s9 =	smul.u32 $0xF7A, s1;
	s8 =	simm.s32 @!p0 $0x1BF5;
	p2 =	por !p2, p0  }
0x20: {  	[sflag:s8] =	ssyncset.s32 @!p0 $0xFFFFF086;
	s6 =	sadd.s32 @!p0 s3, s7;
	s7 =	simm.s32 @!p0 $0x108  }
0x21: {  	s3 =	sadd.s32 s3, s9;
	s6 =	sadd.s32 @!p0 $0x88, s6;
	s7 =	simm.s32 @p2 $0x1082  }
0x22: {  	[simem:s7], [sflag:s8] =	dma.local @!p0 [hbm:s6], $0xF7A  }
0x23: {  	s9 =	sor.u32 $0xD0000000, s2;
	s6 =	simm.s32 $0x108;
	_ =	swait.ge @!p0 [sflag:s8], $0x0  }
0x24: {  	s3 =	sadd.s32 $0x88, s3;
	s6 =	simm.s32 @!p1 $0x1082;
	[sflag:s4] =	ssyncset.s32 $0xFFFFF086  }
0x25: {  	[simem:s6], [sflag:s4] =	dma.local [hbm:s3], $0xF7A  }
0x26: {  	[smem:$0x3F9B] =	sst s1;
	(tag) =	ssettag s2;
	_ =	strace s9  }
0x27: {  	s1 =	sld [smem:$0x3FAB]  }
0x28: {  	s2 =	sld [smem:$0x3FAC]  }
0x29: {  	s4 =	sld [smem:$0x3FAE]  }
0x2a: {  	p0 =	seq.s32 s5, $0x0;
	s5 =	sld [smem:$0x3FAF]  }
0x2b: {  	s6 =	sld [smem:$0x3FB0]  }
0x2c: {  	s7 =	sld [smem:$0x3FB1]  }
0x2d: {  	s3 =	simm.s32 $0x108;
	s8 =	sld [smem:$0x3FB2]  }
0x2e: {  	s3 =	simm.s32 @!p0 $0x1082;
	s9 =	sld [smem:$0x3FB3]  }
0x2f: {  	lr =	sadd.s32 s0, s3;
	s0 =	sld [smem:$0x3FAA]  }
0x30: {  	s3 =	sld [smem:$0x3FAD]  }
0x31: {  	[smem:$0x3FB6] =	sst s10  }
0x32: {  	s10 =	sld [smem:$0x3FB4];
	_ =	sdelay $0x3  }
0x33: {  	p0 =	seq.s32 s10, $0x1;
	s10 =	sld [smem:$0x3FB6];
	_ =	sdelay $0x3  }
0x34: {  	[smem:$0x3FB6] =	sst s10  }
0x35: {  	s10 =	sld [smem:$0x3FB5];
	_ =	sdelay $0x3  }
0x36: {  	p1 =	seq.s32 s10, $0x1;
	s10 =	sld [smem:$0x3FB6];
	_ =	sdelay $0x3  }
0x37: {  	[smem:$0x3FB6] =	sst s10  }
0x38: {  	s10 =	sld [smem:$0x3FB7]  }
0x39: {  	_ = 	snop;
	(pc) =	sbr.ind lr, $3  }
0x3a: {  	_ = 	snop  }
0x3b: {  	_ = 	snop  }
0x3c: {  	p2 =	seq.s32 s10, $0x1;
	s10 =	sld [smem:$0x3FB6]  }
0x3d: {  	_ =	shalt  }
0x3e: {  	_ =	shalt  }
0x3f: {  	_ =	shalt  }
0x40: {  	_ =	shalt  }
0x41: {  	_ =	shalt  }
0x42: {  	_ =	shalt  }
0x43: {  	_ =	shalt  }
0x44: {  	_ =	shalt  }
0x45: {  	_ =	shalt  }
0x46: {  	_ =	shalt  }
0x47: {  	_ =	shalt  }
0x48: {  	_ =	shalt  }
0x49: {  	_ =	shalt  }
0x4a: {  	_ =	shalt  }
0x4b: {  	_ =	shalt  }
0x4c: {  	_ =	shalt  }
0x4d: {  	_ =	shalt  }
0x4e: {  	_ =	shalt  }
0x4f: {  	_ =	shalt  }
0x50: {  	_ =	shalt  }
0x51: {  	_ =	shalt  }
0x52: {  	_ =	shalt  }
0x53: {  	_ =	shalt  }
0x54: {  	_ =	shalt  }
0x55: {  	_ =	shalt  }
0x56: {  	_ =	shalt  }
0x57: {  	_ =	shalt  }
0x58: {  	_ =	shalt  }
0x59: {  	_ =	shalt  }
0x5a: {  	_ =	shalt  }
0x5b: {  	_ =	shalt  }
0x5c: {  	_ =	shalt  }
0x5d: {  	_ =	shalt  }
0x5e: {  	_ =	shalt  }
0x5f: {  	_ =	shalt  }
0x60: {  	_ =	shalt  }
0x61: {  	_ =	shalt  }
0x62: {  	_ =	shalt  }
0x63: {  	_ =	shalt  }
0x64: {  	_ =	shalt  }
0x65: {  	_ =	shalt  }
0x66: {  	_ =	shalt  }
0x67: {  	_ =	shalt  }
0x68: {  	_ =	shalt  }
0x69: {  	_ =	shalt  }
0x6a: {  	_ =	shalt  }
0x6b: {  	_ =	shalt  }
0x6c: {  	_ =	shalt  }
0x6d: {  	_ =	shalt  }
0x6e: {  	_ =	shalt  }
0x6f: {  	_ =	shalt  }
0x70: {  	_ =	shalt  }
0x71: {  	_ =	shalt  }
0x72: {  	_ =	shalt  }
0x73: {  	_ =	shalt  }
0x74: {  	_ =	shalt  }
0x75: {  	_ =	shalt  }
0x76: {  	_ =	shalt  }
0x77: {  	_ =	shalt  }
0x78: {  	_ =	shalt  }
0x79: {  	_ =	shalt  }
0x7a: {  	_ =	shalt  }
0x7b: {  	_ =	shalt  }
0x7c: {  	_ =	shalt  }
0x7d: {  	_ =	shalt  }
0x7e: {  	_ =	shalt  }
0x7f: {  	_ =	shalt  }
0x80: {  	_ =	shalt  }
0x81: {  	_ =	shalt  }
0x82: {  	_ =	shalt  }
0x83: {  	_ =	shalt  }
0x84: {  	_ =	shalt  }
0x85: {  	_ =	shalt  }
0x86: {  	_ =	shalt  }
0x87: {  	_ =	shalt  }
.Lfunc_end0:
.L_simem_size_0:
called_computation.2_lowered:
.L_overlay_start_0:
0x88: {  	s2 =	sld [smem:$0x3FD9]  }
0x89: {  	s3 =	sld [smem:$0x3FFE];
	_ =	sdelay $0x1  }
0x8a: {  	s1 =	srdreg.scid  }
0x8b: {  	s0 =	sand.u32 $0x1, s1  }
0x8c: {  	s17 =	sshll.u32 s0, $0xA;
	s2 =	sadd.s32 s3, s2  }
0x8d: {  	s2 =	sadd.s32 s2, s17  }
0x8e: {  	[smem:$0x3FC2] =	sst s2  }
0x8f: {  	_ = 	snop  }
0x90: {  	s2 =	sld [smem:$0x3FD0];
	(tm) =	ssettm $0x1  }
0x91: {  	s18 =	sld [smem:$0x3FFB];
	_ =	sdelay $0x3  }
0x92: {  	_ =	strace s18  }
0x93: {  	s3 =	sld [smem:$0x3FFC];
	_ =	sdelay $0x3  }
0x94: {  	_ =	strace s3  }
0x95: {  	s3 =	sld [smem:$0x3FFD];
	_ =	sdelay $0x3  }
0x96: {  	_ =	strace s3  }
0x97: {  	_ =	strace $0x8FFFFFFF  }
0x98: {  	s19 =	sld [smem:$0x3FDB];
	_ =	sdelay $0x1  }
0x99: {  	s4 =	simm.s32 $_scs_section_size  }
0x9a: {  	s5 =	simm.s32 $_size__tile_overlayer_lowered;
	s6 =	simm.s32 $_tile_overlayer_lowered  }
0x9b: {  	s22 =	simm.s32 $0x1BFF;
	s21 =	sshll.u32 s6, $0x1;
	s3 =	sadd.s32 s4, s19  }
0x9c: {  	s7 =	simm.s32 $0x0;
	s20 =	sshll.u32 s5, $0x1;
	s5 =	sadd.s32 s21, s3  }
0x9d: {  	[timem:s7], [sflag:s22] =	dma.local [hbm:s5], s20  }
0x9e: {  	_ =	swait.ge [sflag:s22], s20  }
0x9f: {  	s4 =	ssub.s32 $0x0, s20;
	[sflag:s22] =	ssyncset.done $0x0  }
0xa0: {  	[sflag:s22] =	ssyncadd.s32 s4;
	_ =	sdelay $0x1  }
0xa1: {  	s23 =	simm.s32 $0x1B8B  }
0xa2: {  	_ =	swait.ge [sflag:s23], $0x1  }
0xa3: {  	[sflag:s23] =	ssyncset.done $0x0  }
0xa4: {  	s25 =	simm.s32 $0x1B8E;
	s24 =	sld [smem:$0x3FFE];
	[sflag:s23] =	ssyncadd.s32 $0xFFFFFFFF  }
0xa5: {  	s26 =	simm.s32 $execute0_lowered;
	[smem:$0x3FD2] =	sst s25  }
0xa6: {  	s5 =	sshll.u32 s26, $0x1;
	_ =	strace $0x8000004C;
	[dreg:$0x1] =	wrdreg $0xFFFFFFFF  }
0xa7: {  	s28 =	simm.s32 $_size_execute0_lowered;
	s3 =	sadd.s32 s3, s5;
	[dreg:$0x0] =	wrdreg $0x0  }
0xa8: {  	s5 =	sshll.u32 s28, $0x1;
	[dreg:$0x2] =	wrdreg s3  }
0xa9: {  	[dreg:$0x3] =	wrdreg s5  }
0xaa: {  	[dreg:$0x4] =	wrdreg $0xC0  }
0xab: {  	_ =	task [dreg:s7], $0x5FFFF  }
0xac: {  	[dreg:$0x1] =	wrdreg $0xFFFFFFFF  }
0xad: {  	[dreg:$0x0] =	wrdreg $0x60  }
0xae: {  	[dreg:$0x2] =	wrdreg s24  }
0xaf: {  	[dreg:$0x3] =	wrdreg s2  }
0xb0: {  	[dreg:$0x4] =	wrdreg $0xA8000  }
0xb1: {  	[dreg:$0x5] =	wrdreg $0x9  }
0xb2: {  	_ =	task.clear_ibuf [dreg:s7], $0x6FFFF;
	_ =	strace $0x9000004C  }
0xb3: {  	s29 =	simm.s32 $0x9;
	_ =	strace $0x8000004E  }
0xb4: {  	_ =	swait.ge [sflag:s29], $0x1  }
0xb5: {  	[sflag:s29] =	ssyncadd.s32 $0xFFFFFFFF  }
0xb6: {  	_ =	strace $0x9000004E  }
0xb7: {  	_ =	sfence  }
0xb8: {  	s30 =	sld [smem:$0x0];
	_ =	sdelay $0x2  }
0xb9: {  	s31 =	sshll.u32 s1, $0xD;
	s1 =	sshrl.u32 s1, $0x2  }
0xba: {  	s3 =	sand.u32 $0x4000, s31;
	s1 =	sadd.s32 s1, s30  }
0xbb: {  	s0 =	sor.u32 s3, s0;
	s1 =	sshll.u32 s1, $0x11  }
0xbc: {  	s0 =	sor.u32 s1, s0  }
0xbd: {  	s0 =	sadd.s32 $0x8F2B, s0  }
0xbe: {  	[sflag:s0] =	ssyncadd.remote.s32 $0x1  }
0xbf: {  	_ =	sfence.sel $0xFFFF  }
0xc0: {  	[dreg:$0x0] =	wrdreg $0xFFFFFFFF;
	(pc) =	sbr.abs _section_cstart, $3  }
0xc1: {  	[dreg:$0x1] =	wrdreg $0xFFFFFFFF  }
0xc2: {  	_ =	task.clear_ibuf [dreg:s7], $0x2FFFF;
	_ =	strace $0x9FFFFFFF  }
0xc3: {  	(tm) =	ssettm $0x7FFFFFFF  }
tec
execute0_lowered:
.L_overlay_start_1:
0x0: {  	(tag) =	ssettag $0x1  }
0x1: {  	s6 =	rddreg [dreg:$0x0]  }
0x2: {  	s8 =	rddreg [dreg:$0x1]  }
0x3: {  	s0 =	srdreg.scid;
	s2 =	rddreg [dreg:$0x2];
	s3 =	simm.s32 $0x0  }
0x4: {  	s15 =	simm.s32 $0x2800;
	s16 =	simm.s32 $0x4800;
	s17 =	simm.s32 $0x1  }
0x5: {  	s18 =	simm.s32 $0x80;
	s19 =	simm.s32 $0x6800;
	s20 =	simm.s32 $0xC0  }
0x6: {  	s21 =	simm.s32 $0x8800;
	s22 =	simm.s32 $0x2;
	s23 =	simm.s32 $0x3  }
0x7: {  	s28 =	simm.s32 $0x4;
	s5 =	sand.u32 $0x1, s0;
	s0 =	stileid.u32  }
0x8: {  	s29 =	simm.s32 $0x0;
	[smem:$0x7FF] =	sst s3;
	s7 =	smul.u32 $0x14000, s0  }
0x9: {  	s4 =	sadd.s32 $0x2AA00, s6;
	s1 =	sshll.u32 s5, $0x4;
	s10 =	smul.u32 $0x140000, s5  }
0xa: {  	_ =	strace $0x8000004D;
	s24 =	smul.u32 $0x50000, s0;
	s5 =	ssub.s32 $0x2, s5  }
0xb: {  	s31 =	sshll.u32 s0, $0x6;
	s1 =	sor.u32 s0, s1;
	s25 =	sshrl.u32 s5, $0x1  }
0xc: {  	s9 =	smul.u32 $0x280, s1;
	s12 =	sshrl.u32 s7, $0x3;
	s7 =	sadd.s32 s7, s10  }
0xd: {  	s26 =	sshrl.u32 s24, $0x2;
	s30 =	ssub.s32 s5, s25;
	s24 =	simm.s32 $0x1480  }
0xe: {  	s25 =	simm.s32 $0x100;
	s12 =	sadd.s32 s12, s6;
	s7 =	sshrl.u32 s7, $0x3  }
.Ltmp0:
0xf: {  	s14 =	sadd.s32 s26, s2;
	s10 =	smax.u32 s30, $0x1;
	(pc) =	sbr.rel .LBB2_1-.Ltmp0, $4  }
0x10: {  	s26 =	simm.s32 $0x140;
	s11 =	sadd.s32 s9, s6;
	s13 =	sadd.s32 s7, s6  }
0x11: {  	s5 =	sadd.s32 $0x2A00, s12;
	s6 =	sor.u32 $0x1C05, s31;
	s8 =	sadd.s32 s8, s9  }
0x12: {  	s12 =	simm.s32 $0x5;
	s7 =	sadd.s32 $0x7AA00, s11;
	s9 =	sadd.s32 $0x7FA00, s13  }
0x13: {  	s11 =	sshrl.u32 s14, $0x3;
	s13 =	simm.s32 $0x1400;
	s14 =	simm.s32 $0x40  }
.LBB2_4:
0x14: {  	_ =	swait.ge [sflag:s28], $0x4000  }
0x15: {  	s29 =	sadd.s32 $0x1, s29;
	[sflag:s28] =	ssyncset.done $0x0  }
0x16: {  	p0 =	sne.s32 s29, s10;
	[sflag:s28] =	ssyncadd.s32 $0xFFFFC000  }
.Ltmp1:
0x17: {  	[bflag:$0x0] =	sbarrier.arrive $0xFFFF;
	(pc) =	sbr.rel @!p0 .LBB2_5-.Ltmp1, $4  }
0x18: {  	[hbm:s9], [sflag:s6] =	dma.local [spmem:s11], $0x2800  }
0x19: {  	_ =	swait.ge [sflag:s12], $0x2800  }
0x1a: {  	[sflag:s12] =	ssyncset.done $0x0  }
0x1b: {  	[sflag:s12] =	ssyncadd.s32 $0xFFFFD800  }
.LBB2_1:
0x1c: {  	[spmem:s11], [sflag:s6] =	dma.local [hbm:s5], $0x2800  }
0x1d: {  	_ =	swait.ge [sflag:s12], $0x2800  }
0x1e: {  	[sflag:s12] =	ssyncset.done $0x0  }
0x1f: {  	[sflag:s12] =	ssyncadd.s32 $0xFFFFD800  }
0x20: {  	[tilespmem:s3], [sflag:$0x5] =	stream.linear.gather [hbm4b:s7+s3], $0x1400, $0x38;
	[tilespmem:$0x1E800] =	vst v63  }
0x21: {  	_ =	swait.ge [sflag:s12], $0x1400  }
0x22: {  	[sflag:s12] =	ssyncset.done $0x0  }
0x23: {  	[sflag:s12] =	ssyncadd.s32 $0xFFFFEC00  }
0x24: {  	[tilespmem:s13], [sflag:$0x5] =	stream.linear.gather [hbm4b:s8+s3], $0x1400, $0x38;
	[tilespmem:$0x1E800] =	vst v63  }
0x25: {  	_ =	swait.ge [sflag:s12], $0x1400  }
0x26: {  	[sflag:s12] =	ssyncset.done $0x0  }
0x27: {  	[sflag:s12] =	ssyncadd.s32 $0xFFFFEC00  }
0x28: {  	[bflag:$0x0] =	sbarrier.arrive $0xFFFF  }
0x29: {  	[tilespmem:s15], [sflag:$0x1] =	stream.indirect.gather [hbm4b:s4+s14], $0x80, s3, s14, $0xb8;
	[tilespmem:$0x1E800] =	vst v63  }
0x2a: {  	_ = 	snop  }
0x2b: {  	[tilespmem:s16], [sflag:$0x1] =	stream.indirect.gather [hbm4b:s4+s14], $0x80, s14, s14, $0xb8;
	[tilespmem:$0x1E800] =	vst v63  }
0x2c: {  	_ =	swait.ge [sflag:s17], $0x4000  }
0x2d: {  	[sflag:s17] =	ssyncset.done $0x0  }
0x2e: {  	[sflag:s17] =	ssyncadd.s32 $0xFFFFC000  }
0x2f: {  	[spmem:s2] =	stream.indirect.scatter.add.f32 [tilespmem:s15], [sflag:$0x3], $0x80, s13, s18, $0xb8;
	[tilespmem:$0x1E800] =	vst v63  }
0x30: {  	_ = 	snop  }
0x31: {  	[tilespmem:s19], [sflag:$0x2] =	stream.indirect.gather [hbm4b:s4+s14], $0x80, s18, s14, $0xb8;
	[tilespmem:$0x1E800] =	vst v63  }
0x32: {  	_ = 	snop  }
0x33: {  	[tilespmem:s21], [sflag:$0x2] =	stream.indirect.gather [hbm4b:s4+s14], $0x80, s20, s14, $0xb8;
	[tilespmem:$0x1E800] =	vst v63  }
0x34: {  	_ =	swait.ge [sflag:s22], $0x4000  }
0x35: {  	[sflag:s22] =	ssyncset.done $0x0  }
0x36: {  	[sflag:s22] =	ssyncadd.s32 $0xFFFFC000  }
0x37: {  	_ =	swait.ge [sflag:s23], $0x4000  }
0x38: {  	[sflag:s23] =	ssyncset.done $0x0  }
0x39: {  	[sflag:s23] =	ssyncadd.s32 $0xFFFFC000  }
0x3a: {  	[spmem:s2] =	stream.indirect.scatter.add.f32 [tilespmem:s19], [sflag:$0x4], $0x80, s24, s18, $0xb8;
	[tilespmem:$0x1E800] =	vst v63  }
0x3b: {  	_ = 	snop  }
0x3c: {  	[tilespmem:s15], [sflag:$0x1] =	stream.indirect.gather [hbm4b:s4+s14], $0x80, s25, s14, $0xb8;
	[tilespmem:$0x1E800] =	vst v63  }
0x3d: {  	s30 =	simm.s32 $0x0  }
0x3e: {  	[tilespmem:s16], [sflag:$0x1] =	stream.indirect.gather [hbm4b:s4+s14], $0x80, s26, s14, $0xb8;
	[tilespmem:$0x1E800] =	vst v63  }
.LBB2_2:
0x3f: {  	_ =	swait.ge [sflag:s17], $0x4000  }
0x40: {  	[sflag:s17] =	ssyncset.done $0x0  }
0x41: {  	[sflag:s17] =	ssyncadd.s32 $0xFFFFC000  }
0x42: {  	_ =	swait.ge [sflag:s28], $0x4000  }
0x43: {  	s31 =	sshra.s32 s30, $0x2;
	[sflag:s28] =	ssyncset.done $0x0  }
0x44: {  	s1 =	sadd.s32 $0x1500, s31;
	[sflag:s28] =	ssyncadd.s32 $0xFFFFC000  }
0x45: {  	[spmem:s2] =	stream.indirect.scatter.add.f32 [tilespmem:s15], [sflag:$0x3], $0x80, s1, s18, $0xb8;
	[tilespmem:$0x1E800] =	vst v63  }
0x46: {  	s1 =	sadd.s32 $0x180, s31  }
0x47: {  	[tilespmem:s19], [sflag:$0x2] =	stream.indirect.gather [hbm4b:s4+s14], $0x80, s1, s14, $0xb8;
	[tilespmem:$0x1E800] =	vst v63  }
0x48: {  	s1 =	sadd.s32 $0x1C0, s31  }
0x49: {  	[tilespmem:s21], [sflag:$0x2] =	stream.indirect.gather [hbm4b:s4+s14], $0x80, s1, s14, $0xb8;
	[tilespmem:$0x1E800] =	vst v63  }
0x4a: {  	_ =	swait.ge [sflag:s22], $0x4000  }
0x4b: {  	p0 =	seq.s32 s30, $0x4800;
	[sflag:s22] =	ssyncset.done $0x0  }
.Ltmp2:
0x4c: {  	[sflag:s22] =	ssyncadd.s32 $0xFFFFC000;
	(pc) =	sbr.rel @p0 .LBB2_4-.Ltmp2, $4  }
0x4d: {  	_ =	swait.ge [sflag:s23], $0x4000  }
0x4e: {  	[sflag:s23] =	ssyncset.done $0x0  }
0x4f: {  	s1 =	sadd.s32 $0x1580, s31;
	[sflag:s23] =	ssyncadd.s32 $0xFFFFC000  }
0x50: {  	[spmem:s2] =	stream.indirect.scatter.add.f32 [tilespmem:s19], [sflag:$0x4], $0x80, s1, s18, $0xb8;
	[tilespmem:$0x1E800] =	vst v63  }
.Ltmp3:
0x51: {  	(pc) =	sbr.rel .LBB2_2-.Ltmp3, $4  }
0x52: {  	s1 =	sadd.s32 $0x200, s31  }
0x53: {  	[tilespmem:s15], [sflag:$0x1] =	stream.indirect.gather [hbm4b:s4+s14], $0x80, s1, s14, $0xb8;
	[tilespmem:$0x1E800] =	vst v63  }
0x54: {  	s31 =	sadd.s32 $0x240, s31;
	s30 =	sadd.s32 $0x400, s30  }
0x55: {  	[tilespmem:s16], [sflag:$0x1] =	stream.indirect.gather [hbm4b:s4+s14], $0x80, s31, s14, $0xb8;
	[tilespmem:$0x1E800] =	vst v63  }
.LBB2_5:
0x56: {  	_ =	sfence.sel $0x180000  }
0x57: {  	[bflag:$0x0] =	sbarrier.arrive $0xFFFF  }
0x58: {  	_ =	strace $0x9000004D  }
0x59: {  	[bflag:$0x2] =	sbarrier.arrive $0xFFFF  }
0x5a: {  	p0 =	sne.s32 s0, $0x0;
	s0 =	rddreg [dreg:$0x3]  }
0x5b: {  	s0 =	sadd.s32 @!p0 $0x100000, s0  }
0x5c: {  	[sflag:s0] =	ssyncadd.tile.s32 @!p0 $0x1;
	_ =	shalt  }
.Lfunc_end2:
_tile_overlayer_lowered:
.L_overlay_start_2:
0x5d: {  	(tag) =	ssettag $0x2  }
0x5e: {  	s0 =	rddreg [dreg:$0x0];
	s2 =	stileid.u32  }
0x5f: {  	s1 =	rddreg [dreg:$0x1];
	p0 =	sne.s32 s2, $0x0  }
0x60: {  	s3 =	rddreg [dreg:$0x2];
	[bflag:$0x3] =	sbarrier.arrive $0xFFFF;
	s2 =	simm.s32 @!p0 $0x1C05  }
0x61: {  	[timem:s3], [sflag:s2] =	dma.local @!p0 [hbm:s0], s1  }
0x62: {  	s0 =	simm.s32 @!p0 $0x5  }
0x63: {  	_ =	swait.ge @!p0 [sflag:s0], s1  }
0x64: {  	s1 =	ssub.s32 @!p0 $0x0, s1;
	[sflag:s0] =	ssyncset.done @!p0 $0x0  }
0x65: {  	[sflag:s0] =	ssyncadd.s32 @!p0 s1  }
0x66: {  	[bflag:$0x3] =	sbarrier.arrive $0xFFFF  }
0x67: {  	_ =	shalt  }

// kernel: kernel.8.cloned.1.call-start
scs
__scs_entry_jumppad:
0x0: {  	(pc) =	sbr.rel $0x88, $3  }
0x1: {  	(tag) =	ssettag $0x0;
	lr =	simm.s32 $0x1  }
0x2: {  	[smem:$0x3F9B] =	sst lr;
	_ =	strace $0xD0000000  }
0x3: {  	_ = 	snop  }
0x4: {  	_ = 	snop  }
0x5: {  	_ = 	snop  }
0x6: {  	_ = 	snop  }
0x7: {  	_ = 	snop  }
__scs_overlays_trampoline_lowered:
0x8: {  	[smem:$0x3FAA] =	sst s0  }
0x9: {  	[smem:$0x3FAB] =	sst s1  }
0xa: {  	[smem:$0x3FAC] =	sst s2  }
0xb: {  	[smem:$0x3FAD] =	sst s3  }
0xc: {  	[smem:$0x3FAE] =	sst s4  }
0xd: {  	[smem:$0x3FAF] =	sst s5  }
0xe: {  	[smem:$0x3FB0] =	sst s6  }
0xf: {  	[smem:$0x3FB1] =	sst s7  }
0x10: {  	[smem:$0x3FB2] =	sst s8  }
0x11: {  	[smem:$0x3FB3] =	sst s9;
	s0 =	simm.s32 @!p0 $0x0  }
0x12: {  	s1 =	sld [smem:$0x3F99];
	s0 =	simm.s32 @p0 $0x1  }
0x13: {  	[smem:$0x3FB4] =	sst s0;
	s0 =	simm.s32 @!p1 $0x0  }
0x14: {  	s2 =	sld [smem:$0x3F98];
	s0 =	simm.s32 @p1 $0x1  }
0x15: {  	[smem:$0x3FB5] =	sst s0;
	s0 =	simm.s32 @!p2 $0x0  }
0x16: {  	s3 =	sld [smem:$0x3FDB];
	s0 =	simm.s32 @p2 $0x1  }
0x17: {  	s4 =	simm.s32 $0x1BF5;
	[smem:$0x3FB7] =	sst s0  }
0x18: {  	s0 =	sld [smem:$0x3F9A];
	_ =	swait.ge [sflag:s4], $0x0  }
0x19: {  	s7 =	sld [smem:$0x3F9B]  }
0x1a: {  	s8 =	sadd.s32 $0xFFFFE003, lr  }
0x1b: {  	s9 =	sadd.s32 $0xFFFFFEF7, lr;
	s5 =	simm.s32 $0xFFFFFFFF;
	p2 =	slt.u32 s8, $0xFFFFF086  }
0x1c: {  	p1 =	slt.u32 s9, $0xF7A;
	s5 =	simm.s32 @!p2 $0x0  }
0x1d: {  	s5 =	simm.s32 @p1 $0x1;
	p0 =	seq.s32 s7, s2  }
0x1e: {  	s7 =	smul.u32 @!p0 $0xF7A, s2;
	p2 =	seq.s32 @!p0 s5, $0x0  }
0x1f: {  	s9 =	smul.u32 $0xF7A, s1;
	s8 =	simm.s32 @!p0 $0x1BF5;
	p2 =	por !p2, p0  }
0x20: {  	[sflag:s8] =	ssyncset.s32 @!p0 $0xFFFFF086;
	s6 =	sadd.s32 @!p0 s3, s7;
	s7 =	simm.s32 @!p0 $0x108  }
0x21: {  	s3 =	sadd.s32 s3, s9;
	s6 =	sadd.s32 @!p0 $0x88, s6;
	s7 =	simm.s32 @p2 $0x1082  }
0x22: {  	[simem:s7], [sflag:s8] =	dma.local @!p0 [hbm:s6], $0xF7A  }
0x23: {  	s9 =	sor.u32 $0xD0000000, s2;
	s6 =	simm.s32 $0x108;
	_ =	swait.ge @!p0 [sflag:s8], $0x0  }
0x24: {  	s3 =	sadd.s32 $0x88, s3;
	s6 =	simm.s32 @!p1 $0x1082;
	[sflag:s4] =	ssyncset.s32 $0xFFFFF086  }
0x25: {  	[simem:s6], [sflag:s4] =	dma.local [hbm:s3], $0xF7A  }
0x26: {  	[smem:$0x3F9B] =	sst s1;
	(tag) =	ssettag s2;
	_ =	strace s9  }
0x27: {  	s1 =	sld [smem:$0x3FAB]  }
0x28: {  	s2 =	sld [smem:$0x3FAC]  }
0x29: {  	s4 =	sld [smem:$0x3FAE]  }
0x2a: {  	p0 =	seq.s32 s5, $0x0;
	s5 =	sld [smem:$0x3FAF]  }
0x2b: {  	s6 =	sld [smem:$0x3FB0]  }
0x2c: {  	s7 =	sld [smem:$0x3FB1]  }
0x2d: {  	s3 =	simm.s32 $0x108;
	s8 =	sld [smem:$0x3FB2]  }
0x2e: {  	s3 =	simm.s32 @!p0 $0x1082;
	s9 =	sld [smem:$0x3FB3]  }
0x2f: {  	lr =	sadd.s32 s0, s3;
	s0 =	sld [smem:$0x3FAA]  }
0x30: {  	s3 =	sld [smem:$0x3FAD]  }
0x31: {  	[smem:$0x3FB6] =	sst s10  }
0x32: {  	s10 =	sld [smem:$0x3FB4];
	_ =	sdelay $0x3  }
0x33: {  	p0 =	seq.s32 s10, $0x1;
	s10 =	sld [smem:$0x3FB6];
	_ =	sdelay $0x3  }
0x34: {  	[smem:$0x3FB6] =	sst s10  }
0x35: {  	s10 =	sld [smem:$0x3FB5];
	_ =	sdelay $0x3  }
0x36: {  	p1 =	seq.s32 s10, $0x1;
	s10 =	sld [smem:$0x3FB6];
	_ =	sdelay $0x3  }
0x37: {  	[smem:$0x3FB6] =	sst s10  }
0x38: {  	s10 =	sld [smem:$0x3FB7]  }
0x39: {  	_ = 	snop;
	(pc) =	sbr.ind lr, $3  }
0x3a: {  	_ = 	snop  }
0x3b: {  	_ = 	snop  }
0x3c: {  	p2 =	seq.s32 s10, $0x1;
	s10 =	sld [smem:$0x3FB6]  }
0x3d: {  	_ =	shalt  }
0x3e: {  	_ =	shalt  }
0x3f: {  	_ =	shalt  }
0x40: {  	_ =	shalt  }
0x41: {  	_ =	shalt  }
0x42: {  	_ =	shalt  }
0x43: {  	_ =	shalt  }
0x44: {  	_ =	shalt  }
0x45: {  	_ =	shalt  }
0x46: {  	_ =	shalt  }
0x47: {  	_ =	shalt  }
0x48: {  	_ =	shalt  }
0x49: {  	_ =	shalt  }
0x4a: {  	_ =	shalt  }
0x4b: {  	_ =	shalt  }
0x4c: {  	_ =	shalt  }
0x4d: {  	_ =	shalt  }
0x4e: {  	_ =	shalt  }
0x4f: {  	_ =	shalt  }
0x50: {  	_ =	shalt  }
0x51: {  	_ =	shalt  }
0x52: {  	_ =	shalt  }
0x53: {  	_ =	shalt  }
0x54: {  	_ =	shalt  }
0x55: {  	_ =	shalt  }
0x56: {  	_ =	shalt  }
0x57: {  	_ =	shalt  }
0x58: {  	_ =	shalt  }
0x59: {  	_ =	shalt  }
0x5a: {  	_ =	shalt  }
0x5b: {  	_ =	shalt  }
0x5c: {  	_ =	shalt  }
0x5d: {  	_ =	shalt  }
0x5e: {  	_ =	shalt  }
0x5f: {  	_ =	shalt  }
0x60: {  	_ =	shalt  }
0x61: {  	_ =	shalt  }
0x62: {  	_ =	shalt  }
0x63: {  	_ =	shalt  }
0x64: {  	_ =	shalt  }
0x65: {  	_ =	shalt  }
0x66: {  	_ =	shalt  }
0x67: {  	_ =	shalt  }
0x68: {  	_ =	shalt  }
0x69: {  	_ =	shalt  }
0x6a: {  	_ =	shalt  }
0x6b: {  	_ =	shalt  }
0x6c: {  	_ =	shalt  }
0x6d: {  	_ =	shalt  }
0x6e: {  	_ =	shalt  }
0x6f: {  	_ =	shalt  }
0x70: {  	_ =	shalt  }
0x71: {  	_ =	shalt  }
0x72: {  	_ =	shalt  }
0x73: {  	_ =	shalt  }
0x74: {  	_ =	shalt  }
0x75: {  	_ =	shalt  }
0x76: {  	_ =	shalt  }
0x77: {  	_ =	shalt  }
0x78: {  	_ =	shalt  }
0x79: {  	_ =	shalt  }
0x7a: {  	_ =	shalt  }
0x7b: {  	_ =	shalt  }
0x7c: {  	_ =	shalt  }
0x7d: {  	_ =	shalt  }
0x7e: {  	_ =	shalt  }
0x7f: {  	_ =	shalt  }
0x80: {  	_ =	shalt  }
0x81: {  	_ =	shalt  }
0x82: {  	_ =	shalt  }
0x83: {  	_ =	shalt  }
0x84: {  	_ =	shalt  }
0x85: {  	_ =	shalt  }
0x86: {  	_ =	shalt  }
0x87: {  	_ =	shalt  }
.Lfunc_end0:
.L_simem_size_0:
called_computation_lowered:
.L_overlay_start_0:
0x88: {  	s2 =	sld [smem:$0x3FD9]  }
0x89: {  	s3 =	sld [smem:$0x3FFE];
	_ =	sdelay $0x1  }
0x8a: {  	s1 =	srdreg.scid  }
0x8b: {  	s0 =	sand.u32 $0x1, s1  }
0x8c: {  	s17 =	sshll.u32 s0, $0xA;
	s2 =	sadd.s32 s3, s2  }
0x8d: {  	s2 =	sadd.s32 s2, s17  }
0x8e: {  	[smem:$0x3FC2] =	sst s2  }
0x8f: {  	_ = 	snop  }
0x90: {  	s2 =	sld [smem:$0x3FD0];
	(tm) =	ssettm $0x1  }
0x91: {  	s18 =	sld [smem:$0x3FFB];
	_ =	sdelay $0x3  }
0x92: {  	_ =	strace s18  }
0x93: {  	s3 =	sld [smem:$0x3FFC];
	_ =	sdelay $0x3  }
0x94: {  	_ =	strace s3  }
0x95: {  	s3 =	sld [smem:$0x3FFD];
	_ =	sdelay $0x3  }
0x96: {  	_ =	strace s3  }
0x97: {  	_ =	strace $0x8FFFFFFF  }
0x98: {  	s19 =	sld [smem:$0x3FDB];
	_ =	sdelay $0x1  }
0x99: {  	s4 =	simm.s32 $_scs_section_size  }
0x9a: {  	s5 =	simm.s32 $_size__tile_overlayer_lowered;
	s6 =	simm.s32 $_tile_overlayer_lowered  }
0x9b: {  	s22 =	simm.s32 $0x1BFF;
	s21 =	sshll.u32 s6, $0x1;
	s3 =	sadd.s32 s4, s19  }
0x9c: {  	s7 =	simm.s32 $0x0;
	s20 =	sshll.u32 s5, $0x1;
	s5 =	sadd.s32 s21, s3  }
0x9d: {  	[timem:s7], [sflag:s22] =	dma.local [hbm:s5], s20  }
0x9e: {  	_ =	swait.ge [sflag:s22], s20  }
0x9f: {  	s4 =	ssub.s32 $0x0, s20;
	[sflag:s22] =	ssyncset.done $0x0  }
0xa0: {  	[sflag:s22] =	ssyncadd.s32 s4;
	_ =	sdelay $0x1  }
0xa1: {  	s23 =	simm.s32 $0x1B8B  }
0xa2: {  	_ =	swait.ge [sflag:s23], $0x1  }
0xa3: {  	[sflag:s23] =	ssyncset.done $0x0  }
0xa4: {  	s25 =	simm.s32 $0x1B8E;
	s24 =	sld [smem:$0x3FFE];
	[sflag:s23] =	ssyncadd.s32 $0xFFFFFFFF  }
0xa5: {  	s26 =	simm.s32 $execute0_lowered;
	[smem:$0x3FD2] =	sst s25  }
0xa6: {  	s5 =	sshll.u32 s26, $0x1;
	_ =	strace $0x80000046;
	[dreg:$0x1] =	wrdreg $0xFFFFFFFF  }
0xa7: {  	s28 =	simm.s32 $_size_execute0_lowered;
	s3 =	sadd.s32 s3, s5;
	[dreg:$0x0] =	wrdreg $0x0  }
0xa8: {  	s5 =	sshll.u32 s28, $0x1;
	[dreg:$0x2] =	wrdreg s3  }
0xa9: {  	[dreg:$0x3] =	wrdreg s5  }
0xaa: {  	[dreg:$0x4] =	wrdreg $0xC0  }
0xab: {  	_ =	task [dreg:s7], $0x5FFFF  }
0xac: {  	[dreg:$0x1] =	wrdreg $0xFFFFFFFF  }
0xad: {  	[dreg:$0x0] =	wrdreg $0x60  }
0xae: {  	[dreg:$0x2] =	wrdreg s2  }
0xaf: {  	[dreg:$0x3] =	wrdreg s24  }
0xb0: {  	[dreg:$0x4] =	wrdreg $0x54000  }
0xb1: {  	[dreg:$0x5] =	wrdreg $0x9  }
0xb2: {  	_ =	task.clear_ibuf [dreg:s7], $0x6FFFF;
	_ =	strace $0x90000046  }
0xb3: {  	s29 =	simm.s32 $0x9;
	_ =	strace $0x80000048  }
0xb4: {  	_ =	swait.ge [sflag:s29], $0x1  }
0xb5: {  	[sflag:s29] =	ssyncadd.s32 $0xFFFFFFFF  }
0xb6: {  	_ =	strace $0x90000048  }
0xb7: {  	_ =	sfence  }
0xb8: {  	s30 =	sld [smem:$0x0];
	_ =	sdelay $0x2  }
0xb9: {  	s31 =	sshll.u32 s1, $0xD;
	s1 =	sshrl.u32 s1, $0x2  }
0xba: {  	s3 =	sand.u32 $0x4000, s31;
	s1 =	sadd.s32 s1, s30  }
0xbb: {  	s0 =	sor.u32 s3, s0;
	s1 =	sshll.u32 s1, $0x11  }
0xbc: {  	s0 =	sor.u32 s1, s0  }
0xbd: {  	s0 =	sadd.s32 $0x8F2B, s0  }
0xbe: {  	[sflag:s0] =	ssyncadd.remote.s32 $0x1  }
0xbf: {  	_ =	sfence.sel $0xFFFF  }
0xc0: {  	[dreg:$0x0] =	wrdreg $0xFFFFFFFF;
	(pc) =	sbr.abs _section_cstart, $3  }
0xc1: {  	[dreg:$0x1] =	wrdreg $0xFFFFFFFF  }
0xc2: {  	_ =	task.clear_ibuf [dreg:s7], $0x2FFFF;
	_ =	strace $0x9FFFFFFF  }
0xc3: {  	(tm) =	ssettm $0x7FFFFFFF  }
tec
execute0_lowered:
.L_overlay_start_1:
0x0: {  	(tag) =	ssettag $0x1  }
0x1: {  	s0 =	rddreg [dreg:$0x0]  }
0x2: {  	s1 =	rddreg [dreg:$0x1];
	s12 =	stileid.u32  }
0x3: {  	s3 =	srdreg.scid;
	s2 =	rddreg [dreg:$0x2];
	s13 =	simm.s32 $0x80  }
0x4: {  	s17 =	simm.s32 $0xC00;
	s18 =	simm.s32 $0xC80;
	s19 =	simm.s32 $0xD00  }
0x5: {  	s20 =	simm.s32 $0xD80;
	s21 =	simm.s32 $0xE00;
	s22 =	simm.s32 $0xE80  }
0x6: {  	s28 =	simm.s32 $0x1100;
	s29 =	simm.s32 $0x1180;
	s30 =	simm.s32 $0x1200  }
0x7: {  	s31 =	simm.s32 $0x1280;
	s14 =	simm.s32 $0x1;
	s4 =	smul.u32 $0x14000, s12  }
0x8: {  	s15 =	simm.s32 $0x0;
	s5 =	sand.u32 $0x1, s3;
	s9 =	smul.u32 $0x50000, s12  }
0x9: {  	s3 =	simm.s32 $0x0;
	s26 =	sshll.u32 s12, $0x6;
	s6 =	smul.u32 $0x140000, s5  }
0xa: {  	[smem:$0x7FF] =	sst s3;
	s8 =	ssub.s32 $0x2, s5;
	s5 =	sshll.u32 s5, $0x4  }
0xb: {  	_ =	strace $0x80000047;
	s7 =	sshrl.u32 s4, $0x3;
	s23 =	sshrl.u32 s8, $0x1  }
0xc: {  	s5 =	sor.u32 s12, s5;
	s24 =	sshrl.u32 s9, $0x2;
	s12 =	simm.s32 $0x1400  }
0xd: {  	s6 =	sadd.s32 s4, s6;
	s4 =	sadd.s32 $0x2200, s1;
	s7 =	sadd.s32 s7, s1  }
0xe: {  	s10 =	ssub.s32 s8, s23;
	s25 =	smul.u32 $0x280, s5;
	s11 =	sadd.s32 s24, s2  }
0xf: {  	s23 =	simm.s32 $0xF00;
	s24 =	simm.s32 $0xF80;
	s6 =	sshrl.u32 s6, $0x3  }
0x10: {  	s5 =	sadd.s32 $0x2A00, s7;
	s9 =	smax.u32 s10, $0x1;
	s10 =	sshrl.u32 s11, $0x3  }
0x11: {  	s11 =	simm.s32 $0x2;
	s1 =	sadd.s32 s6, s1;
	s6 =	sor.u32 $0x1C02, s26  }
0x12: {  	s7 =	sadd.s32 s0, s25;
	s25 =	simm.s32 $0x1000;
	s26 =	simm.s32 $0x1080  }
0x13: {  	s0 =	simm.s32 $0x1380;
	s8 =	sadd.s32 $0x2AA00, s1;
	s1 =	simm.s32 $0x1300  }
.LBB2_1:
0x14: {  	[spmem:s10], [sflag:s6] =	dma.local [hbm:s5], $0x2800  }
0x15: {  	_ =	swait.ge [sflag:s11], $0x2800  }
0x16: {  	[sflag:s11] =	ssyncset.done $0x0  }
0x17: {  	[sflag:s11] =	ssyncadd.s32 $0xFFFFD800  }
0x18: {  	[tilespmem:s3], [sflag:$0x2] =	stream.linear.gather [hbm4b:s7+s3], $0x1400, $0x38;
	[tilespmem:$0x19400] =	vst v63  }
0x19: {  	_ =	swait.ge [sflag:s11], $0x1400  }
0x1a: {  	[sflag:s11] =	ssyncset.done $0x0  }
0x1b: {  	[sflag:s11] =	ssyncadd.s32 $0xFFFFEC00  }
0x1c: {  	[tilespmem:s12], [sflag:$0x2] =	stream.linear.gather [hbm4b:s4+s3], $0x4000, $0x38;
	[tilespmem:$0x19400] =	vst v63  }
0x1d: {  	_ =	swait.ge [sflag:s11], $0x4000  }
0x1e: {  	[sflag:s11] =	ssyncset.done $0x0  }
0x1f: {  	[sflag:s11] =	ssyncadd.s32 $0xFFFFC000  }
0x20: {  	[bflag:$0x0] =	sbarrier.arrive $0xFFFF  }
0x21: {  	[spmem:s2] =	stream.indirect.scatter.add.f32 [tilespmem:s12], [sflag:$0x1], $0x80, s3, s13, $0xb8;
	[tilespmem:$0x19400] =	vst v63  }
0x22: {  	_ = 	snop  }
0x23: {  	[spmem:s2] =	stream.indirect.scatter.add.f32 [tilespmem:s12], [sflag:$0x1], $0x80, s13, s13, $0xb8;
	[tilespmem:$0x19400] =	vst v63  }
0x24: {  	s16 =	simm.s32 $0x100  }
0x25: {  	[spmem:s2] =	stream.indirect.scatter.add.f32 [tilespmem:s12], [sflag:$0x1], $0x80, s16, s13, $0xb8;
	[tilespmem:$0x19400] =	vst v63  }
0x26: {  	s16 =	simm.s32 $0x180  }
0x27: {  	[spmem:s2] =	stream.indirect.scatter.add.f32 [tilespmem:s12], [sflag:$0x1], $0x80, s16, s13, $0xb8;
	[tilespmem:$0x19400] =	vst v63  }
0x28: {  	s16 =	simm.s32 $0x200  }
0x29: {  	[spmem:s2] =	stream.indirect.scatter.add.f32 [tilespmem:s12], [sflag:$0x1], $0x80, s16, s13, $0xb8;
	[tilespmem:$0x19400] =	vst v63  }
0x2a: {  	s16 =	simm.s32 $0x280  }
0x2b: {  	[spmem:s2] =	stream.indirect.scatter.add.f32 [tilespmem:s12], [sflag:$0x1], $0x80, s16, s13, $0xb8;
	[tilespmem:$0x19400] =	vst v63  }
0x2c: {  	s16 =	simm.s32 $0x300  }
0x2d: {  	[spmem:s2] =	stream.indirect.scatter.add.f32 [tilespmem:s12], [sflag:$0x1], $0x80, s16, s13, $0xb8;
	[tilespmem:$0x19400] =	vst v63  }
0x2e: {  	s16 =	simm.s32 $0x380  }
0x2f: {  	[spmem:s2] =	stream.indirect.scatter.add.f32 [tilespmem:s12], [sflag:$0x1], $0x80, s16, s13, $0xb8;
	[tilespmem:$0x19400] =	vst v63  }
0x30: {  	s16 =	simm.s32 $0x400  }
0x31: {  	[spmem:s2] =	stream.indirect.scatter.add.f32 [tilespmem:s12], [sflag:$0x1], $0x80, s16, s13, $0xb8;
	[tilespmem:$0x19400] =	vst v63  }
0x32: {  	s16 =	simm.s32 $0x480  }
0x33: {  	[spmem:s2] =	stream.indirect.scatter.add.f32 [tilespmem:s12], [sflag:$0x1], $0x80, s16, s13, $0xb8;
	[tilespmem:$0x19400] =	vst v63  }
0x34: {  	s16 =	simm.s32 $0x500  }
0x35: {  	[spmem:s2] =	stream.indirect.scatter.add.f32 [tilespmem:s12], [sflag:$0x1], $0x80, s16, s13, $0xb8;
	[tilespmem:$0x19400] =	vst v63  }
0x36: {  	s16 =	simm.s32 $0x580  }
0x37: {  	[spmem:s2] =	stream.indirect.scatter.add.f32 [tilespmem:s12], [sflag:$0x1], $0x80, s16, s13, $0xb8;
	[tilespmem:$0x19400] =	vst v63  }
0x38: {  	s16 =	simm.s32 $0x600  }
0x39: {  	[spmem:s2] =	stream.indirect.scatter.add.f32 [tilespmem:s12], [sflag:$0x1], $0x80, s16, s13, $0xb8;
	[tilespmem:$0x19400] =	vst v63  }
0x3a: {  	s16 =	simm.s32 $0x680  }
0x3b: {  	[spmem:s2] =	stream.indirect.scatter.add.f32 [tilespmem:s12], [sflag:$0x1], $0x80, s16, s13, $0xb8;
	[tilespmem:$0x19400] =	vst v63  }
0x3c: {  	s16 =	simm.s32 $0x700  }
0x3d: {  	[spmem:s2] =	stream.indirect.scatter.add.f32 [tilespmem:s12], [sflag:$0x1], $0x80, s16, s13, $0xb8;
	[tilespmem:$0x19400] =	vst v63  }
0x3e: {  	s16 =	simm.s32 $0x780  }
0x3f: {  	[spmem:s2] =	stream.indirect.scatter.add.f32 [tilespmem:s12], [sflag:$0x1], $0x80, s16, s13, $0xb8;
	[tilespmem:$0x19400] =	vst v63  }
0x40: {  	s16 =	simm.s32 $0x800  }
0x41: {  	[spmem:s2] =	stream.indirect.scatter.add.f32 [tilespmem:s12], [sflag:$0x1], $0x80, s16, s13, $0xb8;
	[tilespmem:$0x19400] =	vst v63  }
0x42: {  	s16 =	simm.s32 $0x880  }
0x43: {  	[spmem:s2] =	stream.indirect.scatter.add.f32 [tilespmem:s12], [sflag:$0x1], $0x80, s16, s13, $0xb8;
	[tilespmem:$0x19400] =	vst v63  }
0x44: {  	s16 =	simm.s32 $0x900  }
0x45: {  	[spmem:s2] =	stream.indirect.scatter.add.f32 [tilespmem:s12], [sflag:$0x1], $0x80, s16, s13, $0xb8;
	[tilespmem:$0x19400] =	vst v63  }
0x46: {  	s16 =	simm.s32 $0x980  }
0x47: {  	[spmem:s2] =	stream.indirect.scatter.add.f32 [tilespmem:s12], [sflag:$0x1], $0x80, s16, s13, $0xb8;
	[tilespmem:$0x19400] =	vst v63  }
0x48: {  	s16 =	simm.s32 $0xA00  }
0x49: {  	[spmem:s2] =	stream.indirect.scatter.add.f32 [tilespmem:s12], [sflag:$0x1], $0x80, s16, s13, $0xb8;
	[tilespmem:$0x19400] =	vst v63  }
0x4a: {  	s16 =	simm.s32 $0xA80  }
0x4b: {  	[spmem:s2] =	stream.indirect.scatter.add.f32 [tilespmem:s12], [sflag:$0x1], $0x80, s16, s13, $0xb8;
	[tilespmem:$0x19400] =	vst v63  }
0x4c: {  	s16 =	simm.s32 $0xB00  }
0x4d: {  	[spmem:s2] =	stream.indirect.scatter.add.f32 [tilespmem:s12], [sflag:$0x1], $0x80, s16, s13, $0xb8;
	[tilespmem:$0x19400] =	vst v63  }
0x4e: {  	s16 =	simm.s32 $0xB80  }
0x4f: {  	[spmem:s2] =	stream.indirect.scatter.add.f32 [tilespmem:s12], [sflag:$0x1], $0x80, s16, s13, $0xb8;
	[tilespmem:$0x19400] =	vst v63  }
0x50: {  	_ = 	snop  }
0x51: {  	[spmem:s2] =	stream.indirect.scatter.add.f32 [tilespmem:s12], [sflag:$0x1], $0x80, s17, s13, $0xb8;
	[tilespmem:$0x19400] =	vst v63  }
0x52: {  	_ = 	snop  }
0x53: {  	[spmem:s2] =	stream.indirect.scatter.add.f32 [tilespmem:s12], [sflag:$0x1], $0x80, s18, s13, $0xb8;
	[tilespmem:$0x19400] =	vst v63  }
0x54: {  	_ = 	snop  }
0x55: {  	[spmem:s2] =	stream.indirect.scatter.add.f32 [tilespmem:s12], [sflag:$0x1], $0x80, s19, s13, $0xb8;
	[tilespmem:$0x19400] =	vst v63  }
0x56: {  	_ = 	snop  }
0x57: {  	[spmem:s2] =	stream.indirect.scatter.add.f32 [tilespmem:s12], [sflag:$0x1], $0x80, s20, s13, $0xb8;
	[tilespmem:$0x19400] =	vst v63  }
0x58: {  	_ = 	snop  }
0x59: {  	[spmem:s2] =	stream.indirect.scatter.add.f32 [tilespmem:s12], [sflag:$0x1], $0x80, s21, s13, $0xb8;
	[tilespmem:$0x19400] =	vst v63  }
0x5a: {  	_ = 	snop  }
0x5b: {  	[spmem:s2] =	stream.indirect.scatter.add.f32 [tilespmem:s12], [sflag:$0x1], $0x80, s22, s13, $0xb8;
	[tilespmem:$0x19400] =	vst v63  }
0x5c: {  	_ = 	snop  }
0x5d: {  	[spmem:s2] =	stream.indirect.scatter.add.f32 [tilespmem:s12], [sflag:$0x1], $0x80, s23, s13, $0xb8;
	[tilespmem:$0x19400] =	vst v63  }
0x5e: {  	_ = 	snop  }
0x5f: {  	[spmem:s2] =	stream.indirect.scatter.add.f32 [tilespmem:s12], [sflag:$0x1], $0x80, s24, s13, $0xb8;
	[tilespmem:$0x19400] =	vst v63  }
0x60: {  	_ = 	snop  }
0x61: {  	[spmem:s2] =	stream.indirect.scatter.add.f32 [tilespmem:s12], [sflag:$0x1], $0x80, s25, s13, $0xb8;
	[tilespmem:$0x19400] =	vst v63  }
0x62: {  	_ = 	snop  }
0x63: {  	[spmem:s2] =	stream.indirect.scatter.add.f32 [tilespmem:s12], [sflag:$0x1], $0x80, s26, s13, $0xb8;
	[tilespmem:$0x19400] =	vst v63  }
0x64: {  	_ = 	snop  }
0x65: {  	[spmem:s2] =	stream.indirect.scatter.add.f32 [tilespmem:s12], [sflag:$0x1], $0x80, s28, s13, $0xb8;
	[tilespmem:$0x19400] =	vst v63  }
0x66: {  	_ = 	snop  }
0x67: {  	[spmem:s2] =	stream.indirect.scatter.add.f32 [tilespmem:s12], [sflag:$0x1], $0x80, s29, s13, $0xb8;
	[tilespmem:$0x19400] =	vst v63  }
0x68: {  	_ = 	snop  }
0x69: {  	[spmem:s2] =	stream.indirect.scatter.add.f32 [tilespmem:s12], [sflag:$0x1], $0x80, s30, s13, $0xb8;
	[tilespmem:$0x19400] =	vst v63  }
0x6a: {  	_ = 	snop  }
0x6b: {  	[spmem:s2] =	stream.indirect.scatter.add.f32 [tilespmem:s12], [sflag:$0x1], $0x80, s31, s13, $0xb8;
	[tilespmem:$0x19400] =	vst v63  }
0x6c: {  	_ = 	snop  }
0x6d: {  	[spmem:s2] =	stream.indirect.scatter.add.f32 [tilespmem:s12], [sflag:$0x1], $0x80, s1, s13, $0xb8;
	[tilespmem:$0x19400] =	vst v63  }
0x6e: {  	_ = 	snop  }
0x6f: {  	[spmem:s2] =	stream.indirect.scatter.add.f32 [tilespmem:s12], [sflag:$0x1], $0x80, s0, s13, $0xb8;
	[tilespmem:$0x19400] =	vst v63  }
0x70: {  	_ =	swait.ge [sflag:s14], $0x4000  }
0x71: {  	s16 =	simm.s32 $0x27;
	[sflag:s14] =	ssyncset.done $0x0  }
.LBB2_2:
0x72: {  	p0 =	sne.s32 s16, $0x1;
	s16 =	sadd.s32 $0xFFFFFFFF, s16;
	[sflag:s14] =	ssyncadd.s32 $0xFFFFC000  }
.Ltmp0:
0x73: {  	(pc) =	sbr.rel @p0 .LBB2_2-.Ltmp0, $3  }
0x74: {  	_ =	sdelay $0x1  }
0x75: {  	_ =	swait.ge [sflag:s14], $0x4000  }
0x76: {  	[sflag:s14] =	ssyncset.done $0x0  }
0x77: {  	s15 =	sadd.s32 $0x1, s15  }
0x78: {  	[sflag:s14] =	ssyncadd.s32 $0xFFFFC000;
	p0 =	sne.s32 s15, s9  }
.Ltmp1:
0x79: {  	[bflag:$0x0] =	sbarrier.arrive $0xFFFF;
	(pc) =	sbr.rel @p0 .LBB2_1-.Ltmp1, $4  }
0x7a: {  	[hbm:s8], [sflag:s6] =	dma.local [spmem:s10], $0x2800  }
0x7b: {  	_ =	swait.ge [sflag:s11], $0x2800  }
0x7c: {  	[sflag:s11] =	ssyncset.done $0x0  }
0x7d: {  	[sflag:s11] =	ssyncadd.s32 $0xFFFFD800  }
0x7e: {  	_ =	sfence.sel $0x180000  }
0x7f: {  	[bflag:$0x0] =	sbarrier.arrive $0xFFFF  }
0x80: {  	_ =	strace $0x90000047  }
0x81: {  	s0 =	stileid.u32;
	[bflag:$0x2] =	sbarrier.arrive $0xFFFF  }
0x82: {  	p0 =	sne.s32 s0, $0x0;
	s0 =	rddreg [dreg:$0x3]  }
0x83: {  	s0 =	sadd.s32 @!p0 $0x100000, s0  }
0x84: {  	[sflag:s0] =	ssyncadd.tile.s32 @!p0 $0x1;
	_ =	shalt  }
.Lfunc_end2:
_tile_overlayer_lowered:
.L_overlay_start_2:
0x85: {  	(tag) =	ssettag $0x2  }
0x86: {  	s0 =	rddreg [dreg:$0x0];
	s2 =	stileid.u32  }
0x87: {  	s1 =	rddreg [dreg:$0x1];
	p0 =	sne.s32 s2, $0x0  }
0x88: {  	s3 =	rddreg [dreg:$0x2];
	[bflag:$0x3] =	sbarrier.arrive $0xFFFF;
	s2 =	simm.s32 @!p0 $0x1C02  }
0x89: {  	[timem:s3], [sflag:s2] =	dma.local @!p0 [hbm:s0], s1  }
0x8a: {  	s0 =	simm.s32 @!p0 $0x2  }
0x8b: {  	_ =	swait.ge @!p0 [sflag:s0], s1  }
0x8c: {  	s1 =	ssub.s32 @!p0 $0x0, s1;
	[sflag:s0] =	ssyncset.done @!p0 $0x0  }
0x8d: {  	[sflag:s0] =	ssyncadd.s32 @!p0 s1  }
0x8e: {  	[bflag:$0x3] =	sbarrier.arrive $0xFFFF  }
0x8f: {  	_ =	shalt  }

</sc_bundles>
